<compile_context>
chip_gen: v7x
topology: tpu7x:2x2x1
jax: 0.10.2.dev20260603
libtpu: 0.0.44.dev20260713+nightly
codegen_flags: <defaults>
</compile_context>

<pallas_src>
import functools

import jax
import jax.numpy as jnp
from jax import lax
from jax.experimental import pallas as pl
from jax.experimental.pallas import tpu as pltpu
from jax.experimental.pallas import tpu_sc as plsc

N = 10000
C = 128
NCORES = 2
NSUB = 16
NTILES = NCORES * NSUB
CHUNK = 128
NACC = 10112
ROWS_PER_TILE = NACC // NSUB
DEGW = 128

_mesh = plsc.VectorSubcoreMesh(core_axis_name="c", subcore_axis_name="s",
                               num_cores=NCORES, num_subcores=NSUB)


def _deg_body(nch, dst_hbm, zeros_hbm, ones_hbm, out_hbm, idx_v, ones_v, acc):
    c = lax.axis_index("c")
    s = lax.axis_index("s")
    wid = c * NSUB + s
    pltpu.sync_copy(dst_hbm.at[wid], idx_v)
    pltpu.sync_copy(ones_hbm, ones_v)
    sl = pl.ds(s * ROWS_PER_TILE, ROWS_PER_TILE)
    pltpu.sync_copy(zeros_hbm.at[sl], acc.at[sl])
    plsc.subcore_barrier()

    def step(j, carry):
        pltpu.sync_copy(ones_v, acc.at[idx_v.at[j]], add=True)
        return carry

    lax.fori_loop(0, nch, step, 0)
    plsc.subcore_barrier()
    pltpu.sync_copy(acc.at[sl], out_hbm.at[pl.ds(c * NACC + s * ROWS_PER_TILE, ROWS_PER_TILE)])


def _agg_body(nch, g_hbm, src_hbm, dst_hbm, zeros_hbm, out_hbm,
              idx_s, idx_d, rows, sem, acc):
    c = lax.axis_index("c")
    s = lax.axis_index("s")
    wid = c * NSUB + s
    pltpu.sync_copy(src_hbm.at[wid], idx_s)
    pltpu.sync_copy(dst_hbm.at[wid], idx_d)
    sl = pl.ds(s * ROWS_PER_TILE, ROWS_PER_TILE)
    pltpu.sync_copy(zeros_hbm.at[sl], acc.at[sl])
    plsc.subcore_barrier()

    def step(j, carry):
        pltpu.async_copy(g_hbm.at[idx_s.at[j]], rows, sem).wait()
        pltpu.sync_copy(rows, acc.at[idx_d.at[j]], add=True)
        return carry

    lax.fori_loop(0, nch, step, 0)
    plsc.subcore_barrier()
    pltpu.sync_copy(acc.at[sl], out_hbm.at[pl.ds(c * NACC + s * ROWS_PER_TILE, ROWS_PER_TILE)])


def _k1_body(x_ref, w_ref, d0_ref, d1_ref, g_ref, dinv_ref):
    deg = d0_ref[:, 0:1] + d1_ref[:, 0:1] + 1.0
    dinv = lax.rsqrt(deg)
    h = jnp.dot(x_ref[...], w_ref[...], preferred_element_type=jnp.float32)
    g_ref[...] = h * dinv
    dinv_ref[...] = jnp.broadcast_to(dinv, g_ref.shape)


def _k2_body(p0_ref, p1_ref, g1_ref, dinv_ref, b_ref, w_ref, g2_ref):
    dinv = dinv_ref[...]
    z = dinv * (p0_ref[...] + p1_ref[...] + g1_ref[...]) + b_ref[...]
    z = jnp.maximum(z, 0.0)
    g2_ref[...] = jnp.dot(z, w_ref[...], preferred_element_type=jnp.float32) * dinv


def _k3_body(p0_ref, p1_ref, g2_ref, dinv_ref, b_ref, out_ref):
    out_ref[...] = dinv_ref[...] * (p0_ref[...] + p1_ref[...] + g2_ref[...]) + b_ref[...]


_BLK = 1000
_GRID = (N // _BLK,)


def _row_spec(w):
    return pl.BlockSpec((_BLK, w), lambda i: (i, 0))


def _full_spec(r, c):
    return pl.BlockSpec((r, c), lambda i: (0, 0))


def kernel(x, edge_index, W1, b1, W2, b2):
    E = edge_index.shape[1]
    nch = pl.cdiv(E, NTILES * CHUNK)
    epad = NTILES * nch * CHUNK - E
    ei = edge_index.astype(jnp.int32)
    src = jnp.concatenate([ei[0], jnp.zeros((epad,), jnp.int32)]).reshape(NTILES, nch, CHUNK)
    dst = jnp.concatenate([ei[1], jnp.full((epad,), N, jnp.int32)]).reshape(NTILES, nch, CHUNK)
    zeros16 = jnp.zeros((NACC, DEGW), jnp.float32)
    ones16 = jnp.ones((CHUNK, DEGW), jnp.float32)
    zerosC = jnp.zeros((NACC, C), jnp.float32)

    deg_k = pl.kernel(
        functools.partial(_deg_body, nch),
        out_type=jax.ShapeDtypeStruct((NCORES * NACC, DEGW), jnp.float32),
        mesh=_mesh,
        scratch_types=[
            pltpu.VMEM((nch, CHUNK), jnp.int32),
            pltpu.VMEM((CHUNK, DEGW), jnp.float32),
            pltpu.VMEM_SHARED((NACC, DEGW), jnp.float32),
        ],
    )
    deg2 = deg_k(dst, zeros16, ones16)
    d0 = deg2[0:N]
    d1 = deg2[NACC:NACC + N]

    agg_k = pl.kernel(
        functools.partial(_agg_body, nch),
        out_type=jax.ShapeDtypeStruct((NCORES * NACC, C), jnp.float32),
        mesh=_mesh,
        scratch_types=[
            pltpu.VMEM((nch, CHUNK), jnp.int32),
            pltpu.VMEM((nch, CHUNK), jnp.int32),
            pltpu.VMEM((CHUNK, C), jnp.float32),
            pltpu.SemaphoreType.DMA,
            pltpu.VMEM_SHARED((NACC, C), jnp.float32),
        ],
    )

    k1 = pl.pallas_call(
        _k1_body,
        grid=_GRID,
        in_specs=[_row_spec(C), _full_spec(C, C), _row_spec(DEGW), _row_spec(DEGW)],
        out_specs=[_row_spec(C), _row_spec(C)],
        out_shape=[jax.ShapeDtypeStruct((N, C), jnp.float32),
                   jax.ShapeDtypeStruct((N, C), jnp.float32)],
    )
    g1, dinvb = k1(x, W1, d0, d1)

    agg1 = agg_k(g1, src, dst, zerosC)
    p0 = agg1[0:N]
    p1 = agg1[NACC:NACC + N]

    k2 = pl.pallas_call(
        _k2_body,
        grid=_GRID,
        in_specs=[_row_spec(C), _row_spec(C), _row_spec(C), _row_spec(C),
                  _full_spec(1, C), _full_spec(C, C)],
        out_specs=_row_spec(C),
        out_shape=jax.ShapeDtypeStruct((N, C), jnp.float32),
    )
    g2 = k2(p0, p1, g1, dinvb, b1.reshape(1, C), W2)

    agg2 = agg_k(g2, src, dst, zerosC)
    q0 = agg2[0:N]
    q1 = agg2[NACC:NACC + N]

    k3 = pl.pallas_call(
        _k3_body,
        grid=_GRID,
        in_specs=[_row_spec(C), _row_spec(C), _row_spec(C), _row_spec(C),
                  _full_spec(1, C)],
        out_specs=_row_spec(C),
        out_shape=jax.ShapeDtypeStruct((N, C), jnp.float32),
    )
    return k3(q0, q1, g2, dinvb, b2.reshape(1, C))

# --- scband reference (transcript-rebuilt; emitter-appended) ---
"""Pipeline reference for scband-gnnmodel-5360119185987 (READ-ONLY COPY).

The authoritative reference and input builder live on the scoring server;
editing this copy changes nothing except your own understanding.
"""

import jax, jax.numpy as jnp
import numpy as np

N, E, C_IN, C_HID, C_OUT = 10000, 320000, 128, 128, 128


def gcn_conv(x, edge_index, W, b):
    # PyG GCNConv: add self loops, symmetric normalization D^-1/2 (A+I) D^-1/2 X W + b
    n = x.shape[0]
    loop = jnp.arange(n, dtype=edge_index.dtype)
    src = jnp.concatenate([edge_index[0], loop])
    dst = jnp.concatenate([edge_index[1], loop])
    deg = jnp.zeros((n,), dtype=x.dtype).at[dst].add(1.0)
    dinv = jnp.where(deg > 0, deg ** -0.5, 0.0)
    norm = dinv[src] * dinv[dst]
    h = x @ W
    msg = h[src] * norm[:, None]
    out = jnp.zeros((n, W.shape[1]), dtype=x.dtype).at[dst].add(msg)
    return out + b


def setup_inputs(seed: int = 0) -> dict:
    key = jax.random.key(seed)
    k1, k2, k3, k4 = jax.random.split(key, 4)
    x = jax.random.normal(k1, (N, C_IN), dtype=jnp.float32)
    edge_index = jax.random.randint(k2, (2, E), 0, N)
    W1 = jax.random.normal(k3, (C_IN, C_HID), dtype=jnp.float32) * (1.0 / np.sqrt(C_IN))
    b1 = jnp.zeros((C_HID,), dtype=jnp.float32)
    W2 = jax.random.normal(k4, (C_HID, C_OUT), dtype=jnp.float32) * (1.0 / np.sqrt(C_HID))
    b2 = jnp.zeros((C_OUT,), dtype=jnp.float32)
    return {"x": x, "edge_index": edge_index, "W1": W1, "b1": b1, "W2": W2, "b2": b2}


def reference(x, edge_index, W1, b1, W2, b2):
    # layer 1: GCNConv -> ReLU -> Dropout (identity in eval mode)
    h = gcn_conv(x, edge_index, W1, b1)
    h = jax.nn.relu(h)
    # layer 2: GCNConv
    out = gcn_conv(h, edge_index, W2, b2)
    return out

if __name__ == "__main__":
    import jax
    _d = setup_inputs()
    print(jax.jit(kernel)(*tuple(_d.values())))

</pallas_src>

<mosaic_0001>
#map = affine_map<(d0, d1) -> (0, 0)>
#map1 = affine_map<(d0, d1) -> (0, 0, 0)>
module attributes {stable_mosaic.version = 14 : i64} {
  func.func @_agg_body(%arg0: i32, %arg1: i32, %arg2: memref<10000x128xf32, #tpu.memory_space<hbm>>, %arg3: memref<32x79x128xi32, #tpu.memory_space<hbm>>, %arg4: memref<32x79x128xi32, #tpu.memory_space<hbm>>, %arg5: memref<10112x128xf32, #tpu.memory_space<hbm>>, %arg6: memref<20224x128xf32, #tpu.memory_space<hbm>>, %arg7: memref<79x128xi32, #tpu.memory_space<vmem>>, %arg8: memref<79x128xi32, #tpu.memory_space<vmem>>, %arg9: memref<128x128xf32, #tpu.memory_space<vmem>>, %arg10: memref<!tpu.dma_semaphore, #tpu.memory_space<semaphore_mem>>, %arg11: memref<10112x128xf32, #tpu.memory_space<vmem_shared>>) attributes {dimension_semantics = [#tpu.dimension_semantics<core_parallel>, #tpu.dimension_semantics<subcore_parallel>], iteration_bounds = array<i64: 2, 16>, scalar_prefetch = 0 : i64, scratch_operands = 5 : i64, tpu.core_type = #tpu.core_type<sc_vector_subcore>, window_params = [{transform_indices = #map}, {transform_indices = #map1}, {transform_indices = #map1}, {transform_indices = #map}, {transform_indices = #map}]} {
    %mul3A = arith.constant 16 : i32
    %mul3A_0 = arith.muli %arg0, %mul3A : i32
    %add3A = arith.addi %mul3A_0, %arg1 : i32
    "tpu.region"() ({
      %run_scoped3A = tpu.sem_alloc : memref<!tpu.dma_semaphore, #tpu.memory_space<semaphore_mem>>
      %dma_start3A = arith.constant 0 : i32
      %dma_start3A_14 = arith.constant 0 : i32
      %dma_start3A_15 = tpu.memref_slice %arg3[%add3A, %dma_start3A, %dma_start3A_14] : memref<32x79x128xi32, #tpu.memory_space<hbm>> -> memref<1x79x128xi32, #tpu.memory_space<hbm>>
      %dma_start3A_16 = tpu.memref_squeeze %dma_start3A_15 : memref<1x79x128xi32, #tpu.memory_space<hbm>> -> memref<79x128xi32, #tpu.memory_space<hbm>>
      %dma_start3A_17 = arith.constant 0 : i32
      %dma_start3A_18 = arith.constant 0 : i32
      %dma_start3A_19 = tpu.memref_slice %arg3[%add3A, %dma_start3A_17, %dma_start3A_18] : memref<32x79x128xi32, #tpu.memory_space<hbm>> -> memref<1x79x128xi32, #tpu.memory_space<hbm>>
      %dma_start3A_20 = tpu.memref_squeeze %dma_start3A_19 : memref<1x79x128xi32, #tpu.memory_space<hbm>> -> memref<79x128xi32, #tpu.memory_space<hbm>>
      tpu.enqueue_dma source(%dma_start3A_20 : memref<79x128xi32, #tpu.memory_space<hbm>>) target(%arg7 : memref<79x128xi32, #tpu.memory_space<vmem>>) target_semaphore(%run_scoped3A : memref<!tpu.dma_semaphore, #tpu.memory_space<semaphore_mem>>)
      %dma_wait3A = arith.constant 0 : i32
      %dma_wait3A_21 = arith.constant 0 : i32
      %dma_wait3A_22 = tpu.memref_slice %arg3[%add3A, %dma_wait3A, %dma_wait3A_21] : memref<32x79x128xi32, #tpu.memory_space<hbm>> -> memref<1x79x128xi32, #tpu.memory_space<hbm>>
      %dma_wait3A_23 = tpu.memref_squeeze %dma_wait3A_22 : memref<1x79x128xi32, #tpu.memory_space<hbm>> -> memref<79x128xi32, #tpu.memory_space<hbm>>
      %dma_wait3A_24 = arith.constant 0 : i32
      %dma_wait3A_25 = arith.constant 0 : i32
      %dma_wait3A_26 = tpu.memref_slice %arg3[%add3A, %dma_wait3A_24, %dma_wait3A_25] : memref<32x79x128xi32, #tpu.memory_space<hbm>> -> memref<1x79x128xi32, #tpu.memory_space<hbm>>
      %dma_wait3A_27 = tpu.memref_squeeze %dma_wait3A_26 : memref<1x79x128xi32, #tpu.memory_space<hbm>> -> memref<79x128xi32, #tpu.memory_space<hbm>>
      tpu.wait_dma2 semaphore(%run_scoped3A : memref<!tpu.dma_semaphore, #tpu.memory_space<semaphore_mem>>) src(%dma_wait3A_27 : memref<79x128xi32, #tpu.memory_space<hbm>>) dst(%arg7 : memref<79x128xi32, #tpu.memory_space<vmem>>)
      tpu.yield
    }) : () -> ()
    "tpu.region"() ({
      %run_scoped3A = tpu.sem_alloc : memref<!tpu.dma_semaphore, #tpu.memory_space<semaphore_mem>>
      %dma_start3A = arith.constant 0 : i32
      %dma_start3A_14 = arith.constant 0 : i32
      %dma_start3A_15 = tpu.memref_slice %arg4[%add3A, %dma_start3A, %dma_start3A_14] : memref<32x79x128xi32, #tpu.memory_space<hbm>> -> memref<1x79x128xi32, #tpu.memory_space<hbm>>
      %dma_start3A_16 = tpu.memref_squeeze %dma_start3A_15 : memref<1x79x128xi32, #tpu.memory_space<hbm>> -> memref<79x128xi32, #tpu.memory_space<hbm>>
      %dma_start3A_17 = arith.constant 0 : i32
      %dma_start3A_18 = arith.constant 0 : i32
      %dma_start3A_19 = tpu.memref_slice %arg4[%add3A, %dma_start3A_17, %dma_start3A_18] : memref<32x79x128xi32, #tpu.memory_space<hbm>> -> memref<1x79x128xi32, #tpu.memory_space<hbm>>
      %dma_start3A_20 = tpu.memref_squeeze %dma_start3A_19 : memref<1x79x128xi32, #tpu.memory_space<hbm>> -> memref<79x128xi32, #tpu.memory_space<hbm>>
      tpu.enqueue_dma source(%dma_start3A_20 : memref<79x128xi32, #tpu.memory_space<hbm>>) target(%arg8 : memref<79x128xi32, #tpu.memory_space<vmem>>) target_semaphore(%run_scoped3A : memref<!tpu.dma_semaphore, #tpu.memory_space<semaphore_mem>>)
      %dma_wait3A = arith.constant 0 : i32
      %dma_wait3A_21 = arith.constant 0 : i32
      %dma_wait3A_22 = tpu.memref_slice %arg4[%add3A, %dma_wait3A, %dma_wait3A_21] : memref<32x79x128xi32, #tpu.memory_space<hbm>> -> memref<1x79x128xi32, #tpu.memory_space<hbm>>
      %dma_wait3A_23 = tpu.memref_squeeze %dma_wait3A_22 : memref<1x79x128xi32, #tpu.memory_space<hbm>> -> memref<79x128xi32, #tpu.memory_space<hbm>>
      %dma_wait3A_24 = arith.constant 0 : i32
      %dma_wait3A_25 = arith.constant 0 : i32
      %dma_wait3A_26 = tpu.memref_slice %arg4[%add3A, %dma_wait3A_24, %dma_wait3A_25] : memref<32x79x128xi32, #tpu.memory_space<hbm>> -> memref<1x79x128xi32, #tpu.memory_space<hbm>>
      %dma_wait3A_27 = tpu.memref_squeeze %dma_wait3A_26 : memref<1x79x128xi32, #tpu.memory_space<hbm>> -> memref<79x128xi32, #tpu.memory_space<hbm>>
      tpu.wait_dma2 semaphore(%run_scoped3A : memref<!tpu.dma_semaphore, #tpu.memory_space<semaphore_mem>>) src(%dma_wait3A_27 : memref<79x128xi32, #tpu.memory_space<hbm>>) dst(%arg8 : memref<79x128xi32, #tpu.memory_space<vmem>>)
      tpu.yield
    }) : () -> ()
    %mul3A_1 = arith.constant 632 : i32
    %mul3A_2 = arith.muli %arg1, %mul3A_1 : i32
    "tpu.region"() ({
      %run_scoped3A = tpu.sem_alloc : memref<!tpu.dma_semaphore, #tpu.memory_space<semaphore_mem>>
      %dma_start3A = arith.constant 0 : i32
      %dma_start3A_14 = tpu.memref_slice %arg11[%mul3A_2, %dma_start3A] : memref<10112x128xf32, #tpu.memory_space<vmem_shared>> -> memref<632x128xf32, #tpu.memory_space<vmem_shared>>
      %dma_start3A_15 = arith.constant 0 : i32
      %dma_start3A_16 = tpu.memref_slice %arg5[%mul3A_2, %dma_start3A_15] : memref<10112x128xf32, #tpu.memory_space<hbm>> -> memref<632x128xf32, #tpu.memory_space<hbm>>
      tpu.enqueue_dma source(%dma_start3A_16 : memref<632x128xf32, #tpu.memory_space<hbm>>) target(%dma_start3A_14 : memref<632x128xf32, #tpu.memory_space<vmem_shared>>) target_semaphore(%run_scoped3A : memref<!tpu.dma_semaphore, #tpu.memory_space<semaphore_mem>>)
      %dma_wait3A = arith.constant 0 : i32
      %dma_wait3A_17 = tpu.memref_slice %arg11[%mul3A_2, %dma_wait3A] : memref<10112x128xf32, #tpu.memory_space<vmem_shared>> -> memref<632x128xf32, #tpu.memory_space<vmem_shared>>
      %dma_wait3A_18 = arith.constant 0 : i32
      %dma_wait3A_19 = tpu.memref_slice %arg5[%mul3A_2, %dma_wait3A_18] : memref<10112x128xf32, #tpu.memory_space<hbm>> -> memref<632x128xf32, #tpu.memory_space<hbm>>
      tpu.wait_dma2 semaphore(%run_scoped3A : memref<!tpu.dma_semaphore, #tpu.memory_space<semaphore_mem>>) src(%dma_wait3A_19 : memref<632x128xf32, #tpu.memory_space<hbm>>) dst(%dma_wait3A_17 : memref<632x128xf32, #tpu.memory_space<vmem_shared>>)
      tpu.yield
    }) : () -> ()
    %barrier3A = arith.constant 0 : index
    tpu.barrier barrier_id(%barrier3A)
    %scan3A = arith.constant 0 : i32
    %scan3A_3 = arith.constant 0 : i32
    %scan3A_4 = arith.constant 79 : i32
    %scan3A_5 = arith.addi %scan3A_3, %scan3A_4 : i32
    %scan3A_6 = arith.constant 1 : i32
    scf.for %scan3A_14 = %scan3A_3 to %scan3A_5 step %scan3A_6  : i32 {
      %dma_start3A = arith.constant 0 : i32
      %dma_start3A_15 = tpu.memref_slice %arg7[%scan3A_14, %dma_start3A] : memref<79x128xi32, #tpu.memory_space<vmem>> -> memref<1x128xi32, #tpu.memory_space<vmem>>
      %dma_start3A_16 = tpu.memref_squeeze %dma_start3A_15 : memref<1x128xi32, #tpu.memory_space<vmem>> -> memref<128xi32, #tpu.memory_space<vmem>>
      %dma_start3A_17 = arith.constant 0 : i32
      %dma_start3A_18 = arith.constant 0 : i32
      %dma_start3A_19 = tpu.memref_slice %arg2[%dma_start3A_17, %dma_start3A_18] : memref<10000x128xf32, #tpu.memory_space<hbm>> -> memref<10000x128xf32, #tpu.memory_space<hbm>>
      tpu.enqueue_indirect_dma source(%dma_start3A_19 : memref<10000x128xf32, #tpu.memory_space<hbm>>) target(%arg9 : memref<128x128xf32, #tpu.memory_space<vmem>>) offsets(%dma_start3A_16 : memref<128xi32, #tpu.memory_space<vmem>>) semaphore(%arg10 : memref<!tpu.dma_semaphore, #tpu.memory_space<semaphore_mem>>)
      %dma_wait3A = arith.constant 0 : i32
      %dma_wait3A_20 = tpu.memref_slice %arg7[%scan3A_14, %dma_wait3A] : memref<79x128xi32, #tpu.memory_space<vmem>> -> memref<1x128xi32, #tpu.memory_space<vmem>>
      %dma_wait3A_21 = tpu.memref_squeeze %dma_wait3A_20 : memref<1x128xi32, #tpu.memory_space<vmem>> -> memref<128xi32, #tpu.memory_space<vmem>>
      %dma_wait3A_22 = arith.constant 0 : i32
      %dma_wait3A_23 = arith.constant 0 : i32
      %dma_wait3A_24 = tpu.memref_slice %arg2[%dma_wait3A_22, %dma_wait3A_23] : memref<10000x128xf32, #tpu.memory_space<hbm>> -> memref<10000x128xf32, #tpu.memory_space<hbm>>
      tpu.wait_indirect_dma semaphore(%arg10 : memref<!tpu.dma_semaphore, #tpu.memory_space<semaphore_mem>>) src(%dma_wait3A_24 : memref<10000x128xf32, #tpu.memory_space<hbm>>) dst(%arg9 : memref<128x128xf32, #tpu.memory_space<vmem>>)
      "tpu.region"() ({
        %run_scoped3A = tpu.sem_alloc : memref<!tpu.dma_semaphore, #tpu.memory_space<semaphore_mem>>
        %dma_start3A_25 = arith.constant 0 : i32
        %dma_start3A_26 = tpu.memref_slice %arg8[%scan3A_14, %dma_start3A_25] : memref<79x128xi32, #tpu.memory_space<vmem>> -> memref<1x128xi32, #tpu.memory_space<vmem>>
        %dma_start3A_27 = tpu.memref_squeeze %dma_start3A_26 : memref<1x128xi32, #tpu.memory_space<vmem>> -> memref<128xi32, #tpu.memory_space<vmem>>
        %dma_start3A_28 = arith.constant 0 : i32
        %dma_start3A_29 = arith.constant 0 : i32
        %dma_start3A_30 = tpu.memref_slice %arg11[%dma_start3A_28, %dma_start3A_29] : memref<10112x128xf32, #tpu.memory_space<vmem_shared>> -> memref<10112x128xf32, #tpu.memory_space<vmem_shared>>
        tpu.enqueue_indirect_dma source(%arg9 : memref<128x128xf32, #tpu.memory_space<vmem>>) target(%dma_start3A_30 : memref<10112x128xf32, #tpu.memory_space<vmem_shared>>) offsets(%dma_start3A_27 : memref<128xi32, #tpu.memory_space<vmem>>) semaphore(%run_scoped3A : memref<!tpu.dma_semaphore, #tpu.memory_space<semaphore_mem>>) {add = true}
        %dma_wait3A_31 = arith.constant 0 : i32
        %dma_wait3A_32 = tpu.memref_slice %arg8[%scan3A_14, %dma_wait3A_31] : memref<79x128xi32, #tpu.memory_space<vmem>> -> memref<1x128xi32, #tpu.memory_space<vmem>>
        %dma_wait3A_33 = tpu.memref_squeeze %dma_wait3A_32 : memref<1x128xi32, #tpu.memory_space<vmem>> -> memref<128xi32, #tpu.memory_space<vmem>>
        %dma_wait3A_34 = arith.constant 0 : i32
        %dma_wait3A_35 = arith.constant 0 : i32
        %dma_wait3A_36 = tpu.memref_slice %arg11[%dma_wait3A_34, %dma_wait3A_35] : memref<10112x128xf32, #tpu.memory_space<vmem_shared>> -> memref<10112x128xf32, #tpu.memory_space<vmem_shared>>
        tpu.wait_indirect_dma semaphore(%run_scoped3A : memref<!tpu.dma_semaphore, #tpu.memory_space<semaphore_mem>>) src(%arg9 : memref<128x128xf32, #tpu.memory_space<vmem>>) dst(%dma_wait3A_36 : memref<10112x128xf32, #tpu.memory_space<vmem_shared>>)
        tpu.yield
      }) : () -> ()
    }
    %scan3A_7 = arith.constant 79 : i32
    %barrier3A_8 = arith.constant 0 : index
    tpu.barrier barrier_id(%barrier3A_8)
    %mul3A_9 = arith.constant 10112 : i32
    %mul3A_10 = arith.muli %arg0, %mul3A_9 : i32
    %mul3A_11 = arith.constant 632 : i32
    %mul3A_12 = arith.muli %arg1, %mul3A_11 : i32
    %add3A_13 = arith.addi %mul3A_10, %mul3A_12 : i32
    "tpu.region"() ({
      %run_scoped3A = tpu.sem_alloc : memref<!tpu.dma_semaphore, #tpu.memory_space<semaphore_mem>>
      %dma_start3A = arith.constant 0 : i32
      %dma_start3A_14 = tpu.memref_slice %arg6[%add3A_13, %dma_start3A] : memref<20224x128xf32, #tpu.memory_space<hbm>> -> memref<632x128xf32, #tpu.memory_space<hbm>>
      %dma_start3A_15 = arith.constant 0 : i32
      %dma_start3A_16 = tpu.memref_slice %arg11[%mul3A_2, %dma_start3A_15] : memref<10112x128xf32, #tpu.memory_space<vmem_shared>> -> memref<632x128xf32, #tpu.memory_space<vmem_shared>>
      tpu.enqueue_dma source(%dma_start3A_16 : memref<632x128xf32, #tpu.memory_space<vmem_shared>>) target(%dma_start3A_14 : memref<632x128xf32, #tpu.memory_space<hbm>>) target_semaphore(%run_scoped3A : memref<!tpu.dma_semaphore, #tpu.memory_space<semaphore_mem>>)
      %dma_wait3A = arith.constant 0 : i32
      %dma_wait3A_17 = tpu.memref_slice %arg6[%add3A_13, %dma_wait3A] : memref<20224x128xf32, #tpu.memory_space<hbm>> -> memref<632x128xf32, #tpu.memory_space<hbm>>
      %dma_wait3A_18 = arith.constant 0 : i32
      %dma_wait3A_19 = tpu.memref_slice %arg11[%mul3A_2, %dma_wait3A_18] : memref<10112x128xf32, #tpu.memory_space<vmem_shared>> -> memref<632x128xf32, #tpu.memory_space<vmem_shared>>
      tpu.wait_dma2 semaphore(%run_scoped3A : memref<!tpu.dma_semaphore, #tpu.memory_space<semaphore_mem>>) src(%dma_wait3A_19 : memref<632x128xf32, #tpu.memory_space<vmem_shared>>) dst(%dma_wait3A_17 : memref<632x128xf32, #tpu.memory_space<hbm>>)
      tpu.yield
    }) : () -> ()
    return
  }
}

#map = affine_map<(d0, d1) -> (0, 0)>
#map1 = affine_map<(d0, d1) -> (0, 0, 0)>
module attributes {stable_mosaic.version = 14 : i64} {
  func.func @_agg_body(%arg0: i32, %arg1: i32, %arg2: memref<10000x128xf32, #tpu.memory_space<hbm>>, %arg3: memref<32x79x128xi32, #tpu.memory_space<hbm>>, %arg4: memref<32x79x128xi32, #tpu.memory_space<hbm>>, %arg5: memref<10112x128xf32, #tpu.memory_space<hbm>>, %arg6: memref<20224x128xf32, #tpu.memory_space<hbm>>, %arg7: memref<79x128xi32, #tpu.memory_space<vmem>>, %arg8: memref<79x128xi32, #tpu.memory_space<vmem>>, %arg9: memref<128x128xf32, #tpu.memory_space<vmem>>, %arg10: memref<!tpu.dma_semaphore, #tpu.memory_space<semaphore_mem>>, %arg11: memref<10112x128xf32, #tpu.memory_space<vmem_shared>>) attributes {dimension_semantics = [#tpu.dimension_semantics<core_parallel>, #tpu.dimension_semantics<subcore_parallel>], iteration_bounds = array<i64: 2, 16>, scalar_prefetch = 0 : i64, scratch_operands = 5 : i64, tpu.core_type = #tpu.core_type<sc_vector_subcore>, window_params = [{transform_indices = #map}, {transform_indices = #map1}, {transform_indices = #map1}, {transform_indices = #map}, {transform_indices = #map}]} {
    %mul3A = arith.constant 16 : i32
    %mul3A_0 = arith.muli %arg0, %mul3A : i32
    %add3A = arith.addi %mul3A_0, %arg1 : i32
    "tpu.region"() ({
      %run_scoped3A = tpu.sem_alloc : memref<!tpu.dma_semaphore, #tpu.memory_space<semaphore_mem>>
      %dma_start3A = arith.constant 0 : i32
      %dma_start3A_14 = arith.constant 0 : i32
      %dma_start3A_15 = tpu.memref_slice %arg3[%add3A, %dma_start3A, %dma_start3A_14] : memref<32x79x128xi32, #tpu.memory_space<hbm>> -> memref<1x79x128xi32, #tpu.memory_space<hbm>>
      %dma_start3A_16 = tpu.memref_squeeze %dma_start3A_15 : memref<1x79x128xi32, #tpu.memory_space<hbm>> -> memref<79x128xi32, #tpu.memory_space<hbm>>
      %dma_start3A_17 = arith.constant 0 : i32
      %dma_start3A_18 = arith.constant 0 : i32
      %dma_start3A_19 = tpu.memref_slice %arg3[%add3A, %dma_start3A_17, %dma_start3A_18] : memref<32x79x128xi32, #tpu.memory_space<hbm>> -> memref<1x79x128xi32, #tpu.memory_space<hbm>>
      %dma_start3A_20 = tpu.memref_squeeze %dma_start3A_19 : memref<1x79x128xi32, #tpu.memory_space<hbm>> -> memref<79x128xi32, #tpu.memory_space<hbm>>
      tpu.enqueue_dma source(%dma_start3A_20 : memref<79x128xi32, #tpu.memory_space<hbm>>) target(%arg7 : memref<79x128xi32, #tpu.memory_space<vmem>>) target_semaphore(%run_scoped3A : memref<!tpu.dma_semaphore, #tpu.memory_space<semaphore_mem>>)
      %dma_wait3A = arith.constant 0 : i32
      %dma_wait3A_21 = arith.constant 0 : i32
      %dma_wait3A_22 = tpu.memref_slice %arg3[%add3A, %dma_wait3A, %dma_wait3A_21] : memref<32x79x128xi32, #tpu.memory_space<hbm>> -> memref<1x79x128xi32, #tpu.memory_space<hbm>>
      %dma_wait3A_23 = tpu.memref_squeeze %dma_wait3A_22 : memref<1x79x128xi32, #tpu.memory_space<hbm>> -> memref<79x128xi32, #tpu.memory_space<hbm>>
      %dma_wait3A_24 = arith.constant 0 : i32
      %dma_wait3A_25 = arith.constant 0 : i32
      %dma_wait3A_26 = tpu.memref_slice %arg3[%add3A, %dma_wait3A_24, %dma_wait3A_25] : memref<32x79x128xi32, #tpu.memory_space<hbm>> -> memref<1x79x128xi32, #tpu.memory_space<hbm>>
      %dma_wait3A_27 = tpu.memref_squeeze %dma_wait3A_26 : memref<1x79x128xi32, #tpu.memory_space<hbm>> -> memref<79x128xi32, #tpu.memory_space<hbm>>
      tpu.wait_dma2 semaphore(%run_scoped3A : memref<!tpu.dma_semaphore, #tpu.memory_space<semaphore_mem>>) src(%dma_wait3A_27 : memref<79x128xi32, #tpu.memory_space<hbm>>) dst(%arg7 : memref<79x128xi32, #tpu.memory_space<vmem>>)
      tpu.yield
    }) : () -> ()
    "tpu.region"() ({
      %run_scoped3A = tpu.sem_alloc : memref<!tpu.dma_semaphore, #tpu.memory_space<semaphore_mem>>
      %dma_start3A = arith.constant 0 : i32
      %dma_start3A_14 = arith.constant 0 : i32
      %dma_start3A_15 = tpu.memref_slice %arg4[%add3A, %dma_start3A, %dma_start3A_14] : memref<32x79x128xi32, #tpu.memory_space<hbm>> -> memref<1x79x128xi32, #tpu.memory_space<hbm>>
      %dma_start3A_16 = tpu.memref_squeeze %dma_start3A_15 : memref<1x79x128xi32, #tpu.memory_space<hbm>> -> memref<79x128xi32, #tpu.memory_space<hbm>>
      %dma_start3A_17 = arith.constant 0 : i32
      %dma_start3A_18 = arith.constant 0 : i32
      %dma_start3A_19 = tpu.memref_slice %arg4[%add3A, %dma_start3A_17, %dma_start3A_18] : memref<32x79x128xi32, #tpu.memory_space<hbm>> -> memref<1x79x128xi32, #tpu.memory_space<hbm>>
      %dma_start3A_20 = tpu.memref_squeeze %dma_start3A_19 : memref<1x79x128xi32, #tpu.memory_space<hbm>> -> memref<79x128xi32, #tpu.memory_space<hbm>>
      tpu.enqueue_dma source(%dma_start3A_20 : memref<79x128xi32, #tpu.memory_space<hbm>>) target(%arg8 : memref<79x128xi32, #tpu.memory_space<vmem>>) target_semaphore(%run_scoped3A : memref<!tpu.dma_semaphore, #tpu.memory_space<semaphore_mem>>)
      %dma_wait3A = arith.constant 0 : i32
      %dma_wait3A_21 = arith.constant 0 : i32
      %dma_wait3A_22 = tpu.memref_slice %arg4[%add3A, %dma_wait3A, %dma_wait3A_21] : memref<32x79x128xi32, #tpu.memory_space<hbm>> -> memref<1x79x128xi32, #tpu.memory_space<hbm>>
      %dma_wait3A_23 = tpu.memref_squeeze %dma_wait3A_22 : memref<1x79x128xi32, #tpu.memory_space<hbm>> -> memref<79x128xi32, #tpu.memory_space<hbm>>
      %dma_wait3A_24 = arith.constant 0 : i32
      %dma_wait3A_25 = arith.constant 0 : i32
      %dma_wait3A_26 = tpu.memref_slice %arg4[%add3A, %dma_wait3A_24, %dma_wait3A_25] : memref<32x79x128xi32, #tpu.memory_space<hbm>> -> memref<1x79x128xi32, #tpu.memory_space<hbm>>
      %dma_wait3A_27 = tpu.memref_squeeze %dma_wait3A_26 : memref<1x79x128xi32, #tpu.memory_space<hbm>> -> memref<79x128xi32, #tpu.memory_space<hbm>>
      tpu.wait_dma2 semaphore(%run_scoped3A : memref<!tpu.dma_semaphore, #tpu.memory_space<semaphore_mem>>) src(%dma_wait3A_27 : memref<79x128xi32, #tpu.memory_space<hbm>>) dst(%arg8 : memref<79x128xi32, #tpu.memory_space<vmem>>)
      tpu.yield
    }) : () -> ()
    %mul3A_1 = arith.constant 632 : i32
    %mul3A_2 = arith.muli %arg1, %mul3A_1 : i32
    "tpu.region"() ({
      %run_scoped3A = tpu.sem_alloc : memref<!tpu.dma_semaphore, #tpu.memory_space<semaphore_mem>>
      %dma_start3A = arith.constant 0 : i32
      %dma_start3A_14 = tpu.memref_slice %arg11[%mul3A_2, %dma_start3A] : memref<10112x128xf32, #tpu.memory_space<vmem_shared>> -> memref<632x128xf32, #tpu.memory_space<vmem_shared>>
      %dma_start3A_15 = arith.constant 0 : i32
      %dma_start3A_16 = tpu.memref_slice %arg5[%mul3A_2, %dma_start3A_15] : memref<10112x128xf32, #tpu.memory_space<hbm>> -> memref<632x128xf32, #tpu.memory_space<hbm>>
      tpu.enqueue_dma source(%dma_start3A_16 : memref<632x128xf32, #tpu.memory_space<hbm>>) target(%dma_start3A_14 : memref<632x128xf32, #tpu.memory_space<vmem_shared>>) target_semaphore(%run_scoped3A : memref<!tpu.dma_semaphore, #tpu.memory_space<semaphore_mem>>)
      %dma_wait3A = arith.constant 0 : i32
      %dma_wait3A_17 = tpu.memref_slice %arg11[%mul3A_2, %dma_wait3A] : memref<10112x128xf32, #tpu.memory_space<vmem_shared>> -> memref<632x128xf32, #tpu.memory_space<vmem_shared>>
      %dma_wait3A_18 = arith.constant 0 : i32
      %dma_wait3A_19 = tpu.memref_slice %arg5[%mul3A_2, %dma_wait3A_18] : memref<10112x128xf32, #tpu.memory_space<hbm>> -> memref<632x128xf32, #tpu.memory_space<hbm>>
      tpu.wait_dma2 semaphore(%run_scoped3A : memref<!tpu.dma_semaphore, #tpu.memory_space<semaphore_mem>>) src(%dma_wait3A_19 : memref<632x128xf32, #tpu.memory_space<hbm>>) dst(%dma_wait3A_17 : memref<632x128xf32, #tpu.memory_space<vmem_shared>>)
      tpu.yield
    }) : () -> ()
    %barrier3A = arith.constant 0 : index
    tpu.barrier barrier_id(%barrier3A)
    %scan3A = arith.constant 0 : i32
    %scan3A_3 = arith.constant 0 : i32
    %scan3A_4 = arith.constant 79 : i32
    %scan3A_5 = arith.addi %scan3A_3, %scan3A_4 : i32
    %scan3A_6 = arith.constant 1 : i32
    scf.for %scan3A_14 = %scan3A_3 to %scan3A_5 step %scan3A_6  : i32 {
      %dma_start3A = arith.constant 0 : i32
      %dma_start3A_15 = tpu.memref_slice %arg7[%scan3A_14, %dma_start3A] : memref<79x128xi32, #tpu.memory_space<vmem>> -> memref<1x128xi32, #tpu.memory_space<vmem>>
      %dma_start3A_16 = tpu.memref_squeeze %dma_start3A_15 : memref<1x128xi32, #tpu.memory_space<vmem>> -> memref<128xi32, #tpu.memory_space<vmem>>
      %dma_start3A_17 = arith.constant 0 : i32
      %dma_start3A_18 = arith.constant 0 : i32
      %dma_start3A_19 = tpu.memref_slice %arg2[%dma_start3A_17, %dma_start3A_18] : memref<10000x128xf32, #tpu.memory_space<hbm>> -> memref<10000x128xf32, #tpu.memory_space<hbm>>
      tpu.enqueue_indirect_dma source(%dma_start3A_19 : memref<10000x128xf32, #tpu.memory_space<hbm>>) target(%arg9 : memref<128x128xf32, #tpu.memory_space<vmem>>) offsets(%dma_start3A_16 : memref<128xi32, #tpu.memory_space<vmem>>) semaphore(%arg10 : memref<!tpu.dma_semaphore, #tpu.memory_space<semaphore_mem>>)
      %dma_wait3A = arith.constant 0 : i32
      %dma_wait3A_20 = tpu.memref_slice %arg7[%scan3A_14, %dma_wait3A] : memref<79x128xi32, #tpu.memory_space<vmem>> -> memref<1x128xi32, #tpu.memory_space<vmem>>
      %dma_wait3A_21 = tpu.memref_squeeze %dma_wait3A_20 : memref<1x128xi32, #tpu.memory_space<vmem>> -> memref<128xi32, #tpu.memory_space<vmem>>
      %dma_wait3A_22 = arith.constant 0 : i32
      %dma_wait3A_23 = arith.constant 0 : i32
      %dma_wait3A_24 = tpu.memref_slice %arg2[%dma_wait3A_22, %dma_wait3A_23] : memref<10000x128xf32, #tpu.memory_space<hbm>> -> memref<10000x128xf32, #tpu.memory_space<hbm>>
      tpu.wait_indirect_dma semaphore(%arg10 : memref<!tpu.dma_semaphore, #tpu.memory_space<semaphore_mem>>) src(%dma_wait3A_24 : memref<10000x128xf32, #tpu.memory_space<hbm>>) dst(%arg9 : memref<128x128xf32, #tpu.memory_space<vmem>>)
      "tpu.region"() ({
        %run_scoped3A = tpu.sem_alloc : memref<!tpu.dma_semaphore, #tpu.memory_space<semaphore_mem>>
        %dma_start3A_25 = arith.constant 0 : i32
        %dma_start3A_26 = tpu.memref_slice %arg8[%scan3A_14, %dma_start3A_25] : memref<79x128xi32, #tpu.memory_space<vmem>> -> memref<1x128xi32, #tpu.memory_space<vmem>>
        %dma_start3A_27 = tpu.memref_squeeze %dma_start3A_26 : memref<1x128xi32, #tpu.memory_space<vmem>> -> memref<128xi32, #tpu.memory_space<vmem>>
        %dma_start3A_28 = arith.constant 0 : i32
        %dma_start3A_29 = arith.constant 0 : i32
        %dma_start3A_30 = tpu.memref_slice %arg11[%dma_start3A_28, %dma_start3A_29] : memref<10112x128xf32, #tpu.memory_space<vmem_shared>> -> memref<10112x128xf32, #tpu.memory_space<vmem_shared>>
        tpu.enqueue_indirect_dma source(%arg9 : memref<128x128xf32, #tpu.memory_space<vmem>>) target(%dma_start3A_30 : memref<10112x128xf32, #tpu.memory_space<vmem_shared>>) offsets(%dma_start3A_27 : memref<128xi32, #tpu.memory_space<vmem>>) semaphore(%run_scoped3A : memref<!tpu.dma_semaphore, #tpu.memory_space<semaphore_mem>>) {add = true}
        %dma_wait3A_31 = arith.constant 0 : i32
        %dma_wait3A_32 = tpu.memref_slice %arg8[%scan3A_14, %dma_wait3A_31] : memref<79x128xi32, #tpu.memory_space<vmem>> -> memref<1x128xi32, #tpu.memory_space<vmem>>
        %dma_wait3A_33 = tpu.memref_squeeze %dma_wait3A_32 : memref<1x128xi32, #tpu.memory_space<vmem>> -> memref<128xi32, #tpu.memory_space<vmem>>
        %dma_wait3A_34 = arith.constant 0 : i32
        %dma_wait3A_35 = arith.constant 0 : i32
        %dma_wait3A_36 = tpu.memref_slice %arg11[%dma_wait3A_34, %dma_wait3A_35] : memref<10112x128xf32, #tpu.memory_space<vmem_shared>> -> memref<10112x128xf32, #tpu.memory_space<vmem_shared>>
        tpu.wait_indirect_dma semaphore(%run_scoped3A : memref<!tpu.dma_semaphore, #tpu.memory_space<semaphore_mem>>) src(%arg9 : memref<128x128xf32, #tpu.memory_space<vmem>>) dst(%dma_wait3A_36 : memref<10112x128xf32, #tpu.memory_space<vmem_shared>>)
        tpu.yield
      }) : () -> ()
    }
    %scan3A_7 = arith.constant 79 : i32
    %barrier3A_8 = arith.constant 0 : index
    tpu.barrier barrier_id(%barrier3A_8)
    %mul3A_9 = arith.constant 10112 : i32
    %mul3A_10 = arith.muli %arg0, %mul3A_9 : i32
    %mul3A_11 = arith.constant 632 : i32
    %mul3A_12 = arith.muli %arg1, %mul3A_11 : i32
    %add3A_13 = arith.addi %mul3A_10, %mul3A_12 : i32
    "tpu.region"() ({
      %run_scoped3A = tpu.sem_alloc : memref<!tpu.dma_semaphore, #tpu.memory_space<semaphore_mem>>
      %dma_start3A = arith.constant 0 : i32
      %dma_start3A_14 = tpu.memref_slice %arg6[%add3A_13, %dma_start3A] : memref<20224x128xf32, #tpu.memory_space<hbm>> -> memref<632x128xf32, #tpu.memory_space<hbm>>
      %dma_start3A_15 = arith.constant 0 : i32
      %dma_start3A_16 = tpu.memref_slice %arg11[%mul3A_2, %dma_start3A_15] : memref<10112x128xf32, #tpu.memory_space<vmem_shared>> -> memref<632x128xf32, #tpu.memory_space<vmem_shared>>
      tpu.enqueue_dma source(%dma_start3A_16 : memref<632x128xf32, #tpu.memory_space<vmem_shared>>) target(%dma_start3A_14 : memref<632x128xf32, #tpu.memory_space<hbm>>) target_semaphore(%run_scoped3A : memref<!tpu.dma_semaphore, #tpu.memory_space<semaphore_mem>>)
      %dma_wait3A = arith.constant 0 : i32
      %dma_wait3A_17 = tpu.memref_slice %arg6[%add3A_13, %dma_wait3A] : memref<20224x128xf32, #tpu.memory_space<hbm>> -> memref<632x128xf32, #tpu.memory_space<hbm>>
      %dma_wait3A_18 = arith.constant 0 : i32
      %dma_wait3A_19 = tpu.memref_slice %arg11[%mul3A_2, %dma_wait3A_18] : memref<10112x128xf32, #tpu.memory_space<vmem_shared>> -> memref<632x128xf32, #tpu.memory_space<vmem_shared>>
      tpu.wait_dma2 semaphore(%run_scoped3A : memref<!tpu.dma_semaphore, #tpu.memory_space<semaphore_mem>>) src(%dma_wait3A_19 : memref<632x128xf32, #tpu.memory_space<vmem_shared>>) dst(%dma_wait3A_17 : memref<632x128xf32, #tpu.memory_space<hbm>>)
      tpu.yield
    }) : () -> ()
    return
  }
}

#map = affine_map<(d0, d1) -> (0, 0, 0)>
#map1 = affine_map<(d0, d1) -> (0, 0)>
module attributes {stable_mosaic.version = 14 : i64} {
  func.func @_deg_body(%arg0: i32, %arg1: i32, %arg2: memref<32x79x128xi32, #tpu.memory_space<hbm>>, %arg3: memref<10112x128xf32, #tpu.memory_space<hbm>>, %arg4: memref<128x128xf32, #tpu.memory_space<hbm>>, %arg5: memref<20224x128xf32, #tpu.memory_space<hbm>>, %arg6: memref<79x128xi32, #tpu.memory_space<vmem>>, %arg7: memref<128x128xf32, #tpu.memory_space<vmem>>, %arg8: memref<10112x128xf32, #tpu.memory_space<vmem_shared>>) attributes {dimension_semantics = [#tpu.dimension_semantics<core_parallel>, #tpu.dimension_semantics<subcore_parallel>], iteration_bounds = array<i64: 2, 16>, scalar_prefetch = 0 : i64, scratch_operands = 3 : i64, tpu.core_type = #tpu.core_type<sc_vector_subcore>, window_params = [{transform_indices = #map}, {transform_indices = #map1}, {transform_indices = #map1}, {transform_indices = #map1}]} {
    %mul3A = arith.constant 16 : i32
    %mul3A_0 = arith.muli %arg0, %mul3A : i32
    %add3A = arith.addi %mul3A_0, %arg1 : i32
    "tpu.region"() ({
      %run_scoped3A = tpu.sem_alloc : memref<!tpu.dma_semaphore, #tpu.memory_space<semaphore_mem>>
      %dma_start3A = arith.constant 0 : i32
      %dma_start3A_14 = arith.constant 0 : i32
      %dma_start3A_15 = tpu.memref_slice %arg2[%add3A, %dma_start3A, %dma_start3A_14] : memref<32x79x128xi32, #tpu.memory_space<hbm>> -> memref<1x79x128xi32, #tpu.memory_space<hbm>>
      %dma_start3A_16 = tpu.memref_squeeze %dma_start3A_15 : memref<1x79x128xi32, #tpu.memory_space<hbm>> -> memref<79x128xi32, #tpu.memory_space<hbm>>
      %dma_start3A_17 = arith.constant 0 : i32
      %dma_start3A_18 = arith.constant 0 : i32
      %dma_start3A_19 = tpu.memref_slice %arg2[%add3A, %dma_start3A_17, %dma_start3A_18] : memref<32x79x128xi32, #tpu.memory_space<hbm>> -> memref<1x79x128xi32, #tpu.memory_space<hbm>>
      %dma_start3A_20 = tpu.memref_squeeze %dma_start3A_19 : memref<1x79x128xi32, #tpu.memory_space<hbm>> -> memref<79x128xi32, #tpu.memory_space<hbm>>
      tpu.enqueue_dma source(%dma_start3A_20 : memref<79x128xi32, #tpu.memory_space<hbm>>) target(%arg6 : memref<79x128xi32, #tpu.memory_space<vmem>>) target_semaphore(%run_scoped3A : memref<!tpu.dma_semaphore, #tpu.memory_space<semaphore_mem>>)
      %dma_wait3A = arith.constant 0 : i32
      %dma_wait3A_21 = arith.constant 0 : i32
      %dma_wait3A_22 = tpu.memref_slice %arg2[%add3A, %dma_wait3A, %dma_wait3A_21] : memref<32x79x128xi32, #tpu.memory_space<hbm>> -> memref<1x79x128xi32, #tpu.memory_space<hbm>>
      %dma_wait3A_23 = tpu.memref_squeeze %dma_wait3A_22 : memref<1x79x128xi32, #tpu.memory_space<hbm>> -> memref<79x128xi32, #tpu.memory_space<hbm>>
      %dma_wait3A_24 = arith.constant 0 : i32
      %dma_wait3A_25 = arith.constant 0 : i32
      %dma_wait3A_26 = tpu.memref_slice %arg2[%add3A, %dma_wait3A_24, %dma_wait3A_25] : memref<32x79x128xi32, #tpu.memory_space<hbm>> -> memref<1x79x128xi32, #tpu.memory_space<hbm>>
      %dma_wait3A_27 = tpu.memref_squeeze %dma_wait3A_26 : memref<1x79x128xi32, #tpu.memory_space<hbm>> -> memref<79x128xi32, #tpu.memory_space<hbm>>
      tpu.wait_dma2 semaphore(%run_scoped3A : memref<!tpu.dma_semaphore, #tpu.memory_space<semaphore_mem>>) src(%dma_wait3A_27 : memref<79x128xi32, #tpu.memory_space<hbm>>) dst(%arg6 : memref<79x128xi32, #tpu.memory_space<vmem>>)
      tpu.yield
    }) : () -> ()
    "tpu.region"() ({
      %run_scoped3A = tpu.sem_alloc : memref<!tpu.dma_semaphore, #tpu.memory_space<semaphore_mem>>
      tpu.enqueue_dma source(%arg4 : memref<128x128xf32, #tpu.memory_space<hbm>>) target(%arg7 : memref<128x128xf32, #tpu.memory_space<vmem>>) target_semaphore(%run_scoped3A : memref<!tpu.dma_semaphore, #tpu.memory_space<semaphore_mem>>)
      tpu.wait_dma2 semaphore(%run_scoped3A : memref<!tpu.dma_semaphore, #tpu.memory_space<semaphore_mem>>) src(%arg4 : memref<128x128xf32, #tpu.memory_space<hbm>>) dst(%arg7 : memref<128x128xf32, #tpu.memory_space<vmem>>)
      tpu.yield
    }) : () -> ()
    %mul3A_1 = arith.constant 632 : i32
    %mul3A_2 = arith.muli %arg1, %mul3A_1 : i32
    "tpu.region"() ({
      %run_scoped3A = tpu.sem_alloc : memref<!tpu.dma_semaphore, #tpu.memory_space<semaphore_mem>>
      %dma_start3A = arith.constant 0 : i32
      %dma_start3A_14 = tpu.memref_slice %arg8[%mul3A_2, %dma_start3A] : memref<10112x128xf32, #tpu.memory_space<vmem_shared>> -> memref<632x128xf32, #tpu.memory_space<vmem_shared>>
      %dma_start3A_15 = arith.constant 0 : i32
      %dma_start3A_16 = tpu.memref_slice %arg3[%mul3A_2, %dma_start3A_15] : memref<10112x128xf32, #tpu.memory_space<hbm>> -> memref<632x128xf32, #tpu.memory_space<hbm>>
      tpu.enqueue_dma source(%dma_start3A_16 : memref<632x128xf32, #tpu.memory_space<hbm>>) target(%dma_start3A_14 : memref<632x128xf32, #tpu.memory_space<vmem_shared>>) target_semaphore(%run_scoped3A : memref<!tpu.dma_semaphore, #tpu.memory_space<semaphore_mem>>)
      %dma_wait3A = arith.constant 0 : i32
      %dma_wait3A_17 = tpu.memref_slice %arg8[%mul3A_2, %dma_wait3A] : memref<10112x128xf32, #tpu.memory_space<vmem_shared>> -> memref<632x128xf32, #tpu.memory_space<vmem_shared>>
      %dma_wait3A_18 = arith.constant 0 : i32
      %dma_wait3A_19 = tpu.memref_slice %arg3[%mul3A_2, %dma_wait3A_18] : memref<10112x128xf32, #tpu.memory_space<hbm>> -> memref<632x128xf32, #tpu.memory_space<hbm>>
      tpu.wait_dma2 semaphore(%run_scoped3A : memref<!tpu.dma_semaphore, #tpu.memory_space<semaphore_mem>>) src(%dma_wait3A_19 : memref<632x128xf32, #tpu.memory_space<hbm>>) dst(%dma_wait3A_17 : memref<632x128xf32, #tpu.memory_space<vmem_shared>>)
      tpu.yield
    }) : () -> ()
    %barrier3A = arith.constant 0 : index
    tpu.barrier barrier_id(%barrier3A)
    %scan3A = arith.constant 0 : i32
    %scan3A_3 = arith.constant 0 : i32
    %scan3A_4 = arith.constant 79 : i32
    %scan3A_5 = arith.addi %scan3A_3, %scan3A_4 : i32
    %scan3A_6 = arith.constant 1 : i32
    scf.for %scan3A_14 = %scan3A_3 to %scan3A_5 step %scan3A_6  : i32 {
      "tpu.region"() ({
        %run_scoped3A = tpu.sem_alloc : memref<!tpu.dma_semaphore, #tpu.memory_space<semaphore_mem>>
        %dma_start3A = arith.constant 0 : i32
        %dma_start3A_15 = tpu.memref_slice %arg6[%scan3A_14, %dma_start3A] : memref<79x128xi32, #tpu.memory_space<vmem>> -> memref<1x128xi32, #tpu.memory_space<vmem>>
        %dma_start3A_16 = tpu.memref_squeeze %dma_start3A_15 : memref<1x128xi32, #tpu.memory_space<vmem>> -> memref<128xi32, #tpu.memory_space<vmem>>
        %dma_start3A_17 = arith.constant 0 : i32
        %dma_start3A_18 = arith.constant 0 : i32
        %dma_start3A_19 = tpu.memref_slice %arg8[%dma_start3A_17, %dma_start3A_18] : memref<10112x128xf32, #tpu.memory_space<vmem_shared>> -> memref<10112x128xf32, #tpu.memory_space<vmem_shared>>
        tpu.enqueue_indirect_dma source(%arg7 : memref<128x128xf32, #tpu.memory_space<vmem>>) target(%dma_start3A_19 : memref<10112x128xf32, #tpu.memory_space<vmem_shared>>) offsets(%dma_start3A_16 : memref<128xi32, #tpu.memory_space<vmem>>) semaphore(%run_scoped3A : memref<!tpu.dma_semaphore, #tpu.memory_space<semaphore_mem>>) {add = true}
        %dma_wait3A = arith.constant 0 : i32
        %dma_wait3A_20 = tpu.memref_slice %arg6[%scan3A_14, %dma_wait3A] : memref<79x128xi32, #tpu.memory_space<vmem>> -> memref<1x128xi32, #tpu.memory_space<vmem>>
        %dma_wait3A_21 = tpu.memref_squeeze %dma_wait3A_20 : memref<1x128xi32, #tpu.memory_space<vmem>> -> memref<128xi32, #tpu.memory_space<vmem>>
        %dma_wait3A_22 = arith.constant 0 : i32
        %dma_wait3A_23 = arith.constant 0 : i32
        %dma_wait3A_24 = tpu.memref_slice %arg8[%dma_wait3A_22, %dma_wait3A_23] : memref<10112x128xf32, #tpu.memory_space<vmem_shared>> -> memref<10112x128xf32, #tpu.memory_space<vmem_shared>>
        tpu.wait_indirect_dma semaphore(%run_scoped3A : memref<!tpu.dma_semaphore, #tpu.memory_space<semaphore_mem>>) src(%arg7 : memref<128x128xf32, #tpu.memory_space<vmem>>) dst(%dma_wait3A_24 : memref<10112x128xf32, #tpu.memory_space<vmem_shared>>)
        tpu.yield
      }) : () -> ()
    }
    %scan3A_7 = arith.constant 79 : i32
    %barrier3A_8 = arith.constant 0 : index
    tpu.barrier barrier_id(%barrier3A_8)
    %mul3A_9 = arith.constant 10112 : i32
    %mul3A_10 = arith.muli %arg0, %mul3A_9 : i32
    %mul3A_11 = arith.constant 632 : i32
    %mul3A_12 = arith.muli %arg1, %mul3A_11 : i32
    %add3A_13 = arith.addi %mul3A_10, %mul3A_12 : i32
    "tpu.region"() ({
      %run_scoped3A = tpu.sem_alloc : memref<!tpu.dma_semaphore, #tpu.memory_space<semaphore_mem>>
      %dma_start3A = arith.constant 0 : i32
      %dma_start3A_14 = tpu.memref_slice %arg5[%add3A_13, %dma_start3A] : memref<20224x128xf32, #tpu.memory_space<hbm>> -> memref<632x128xf32, #tpu.memory_space<hbm>>
      %dma_start3A_15 = arith.constant 0 : i32
      %dma_start3A_16 = tpu.memref_slice %arg8[%mul3A_2, %dma_start3A_15] : memref<10112x128xf32, #tpu.memory_space<vmem_shared>> -> memref<632x128xf32, #tpu.memory_space<vmem_shared>>
      tpu.enqueue_dma source(%dma_start3A_16 : memref<632x128xf32, #tpu.memory_space<vmem_shared>>) target(%dma_start3A_14 : memref<632x128xf32, #tpu.memory_space<hbm>>) target_semaphore(%run_scoped3A : memref<!tpu.dma_semaphore, #tpu.memory_space<semaphore_mem>>)
      %dma_wait3A = arith.constant 0 : i32
      %dma_wait3A_17 = tpu.memref_slice %arg5[%add3A_13, %dma_wait3A] : memref<20224x128xf32, #tpu.memory_space<hbm>> -> memref<632x128xf32, #tpu.memory_space<hbm>>
      %dma_wait3A_18 = arith.constant 0 : i32
      %dma_wait3A_19 = tpu.memref_slice %arg8[%mul3A_2, %dma_wait3A_18] : memref<10112x128xf32, #tpu.memory_space<vmem_shared>> -> memref<632x128xf32, #tpu.memory_space<vmem_shared>>
      tpu.wait_dma2 semaphore(%run_scoped3A : memref<!tpu.dma_semaphore, #tpu.memory_space<semaphore_mem>>) src(%dma_wait3A_19 : memref<632x128xf32, #tpu.memory_space<vmem_shared>>) dst(%dma_wait3A_17 : memref<632x128xf32, #tpu.memory_space<hbm>>)
      tpu.yield
    }) : () -> ()
    return
  }
}

module attributes {stable_mosaic.version = 14 : i64} {
  func.func @_k1_body(%arg0: i32, %arg1: memref<1000x128xf32, #tpu.memory_space<vmem>>, %arg2: memref<128x128xf32, #tpu.memory_space<vmem>>, %arg3: memref<1000x128xf32, #tpu.memory_space<vmem>>, %arg4: memref<1000x128xf32, #tpu.memory_space<vmem>>, %arg5: memref<1000x128xf32, #tpu.memory_space<vmem>>, %arg6: memref<1000x128xf32, #tpu.memory_space<vmem>>) attributes {dimension_semantics = [#tpu.dimension_semantics<arbitrary>], iteration_bounds = array<i64: 10>, scalar_prefetch = 0 : i64, scratch_operands = 0 : i64, tpu.core_type = #tpu.core_type<tc>, window_params = [{transform_indices = @transform_0, window_bounds = array<i64: 1000, 128>}, {pipeline_mode = #tpu.pipeline_mode<synchronous>, transform_indices = @transform_1, window_bounds = array<i64: 128, 128>}, {transform_indices = @transform_2, window_bounds = array<i64: 1000, 128>}, {transform_indices = @transform_3, window_bounds = array<i64: 1000, 128>}, {transform_indices = @transform_4, window_bounds = array<i64: 1000, 128>}, {transform_indices = @transform_5, window_bounds = array<i64: 1000, 128>}]} {
    %get3A = arith.constant 0 : index
    %get3A_0 = arith.constant 0 : index
    %get3A_1 = vector.load %arg3[%get3A, %get3A_0] : memref<1000x128xf32, #tpu.memory_space<vmem>>, vector<1000x1xf32>
    %get3A_2 = arith.constant 0 : index
    %get3A_3 = arith.constant 0 : index
    %get3A_4 = vector.load %arg4[%get3A_2, %get3A_3] : memref<1000x128xf32, #tpu.memory_space<vmem>>, vector<1000x1xf32>
    %add3A = arith.addf %get3A_1, %get3A_4 : vector<1000x1xf32>
    %add3A_5 = arith.constant 1.000000e+00 : f32
    %add3A_6 = vector.broadcast %add3A_5 : f32 to vector<1000x1xf32>
    %add3A_7 = arith.addf %add3A, %add3A_6 : vector<1000x1xf32>
    %rsqrt3A = math.rsqrt %add3A_7 : vector<1000x1xf32>
    %get3A_8 = arith.constant 0 : index
    %get3A_9 = arith.constant 0 : index
    %get3A_10 = vector.load %arg1[%get3A_8, %get3A_9] : memref<1000x128xf32, #tpu.memory_space<vmem>>, vector<1000x128xf32>
    %get3A_11 = arith.constant 0 : index
    %get3A_12 = arith.constant 0 : index
    %get3A_13 = vector.load %arg2[%get3A_11, %get3A_12] : memref<128x128xf32, #tpu.memory_space<vmem>>, vector<128x128xf32>
    %dot_general3A = arith.constant dense<0.000000e+00> : vector<1000x128xf32>
    %dot_general3A_14 = tpu.matmul %get3A_10, %get3A_13, %dot_general3A {dimension_numbers = #tpu.dot_dimension_numbers<[1], [0], [0], [1], [0, 0, 1, 1], [], []>, transpose_lhs_hint = false} : vector<1000x128xf32>, vector<128x128xf32>, vector<1000x128xf32> -> vector<1000x128xf32>
    %mul3A = vector.broadcast %rsqrt3A : vector<1000x1xf32> to vector<1000x128xf32>
    %mul3A_15 = arith.mulf %dot_general3A_14, %mul3A : vector<1000x128xf32>
    %swap3A = arith.constant 0 : index
    %swap3A_16 = arith.constant 0 : index
    %swap3A_17 = vector.load %arg5[%swap3A, %swap3A_16] : memref<1000x128xf32, #tpu.memory_space<vmem>>, vector<1000x128xf32>
    tpu.vector_store %arg5[%swap3A, %swap3A_16], %mul3A_15 {strides = array<i32>} : memref<1000x128xf32, #tpu.memory_space<vmem>>, vector<1000x128xf32>,
    %broadcast_in_dim3A = vector.shape_cast %rsqrt3A : vector<1000x1xf32> to vector<1000x1xf32>
    %broadcast_in_dim3A_18 = vector.broadcast %broadcast_in_dim3A : vector<1000x1xf32> to vector<1000x128xf32>
    %swap3A_19 = arith.constant 0 : index
    %swap3A_20 = arith.constant 0 : index
    %swap3A_21 = vector.load %arg6[%swap3A_19, %swap3A_20] : memref<1000x128xf32, #tpu.memory_space<vmem>>, vector<1000x128xf32>
    tpu.vector_store %arg6[%swap3A_19, %swap3A_20], %broadcast_in_dim3A_18 {strides = array<i32>} : memref<1000x128xf32, #tpu.memory_space<vmem>>, vector<1000x128xf32>,
    return
  }
  func.func @transform_0(%arg0: i32) -> (i32, i32) {
    %c0_i32 = arith.constant 0 : i32
    %c0_i32_0 = arith.constant 0 : i32
    return %arg0, %c0_i32 : i32, i32
  }
  func.func @transform_1(%arg0: i32) -> (i32, i32) {
    %c0_i32 = arith.constant 0 : i32
    %c0_i32_0 = arith.constant 0 : i32
    %c0_i32_1 = arith.constant 0 : i32
    return %c0_i32, %c0_i32_0 : i32, i32
  }
  func.func @transform_2(%arg0: i32) -> (i32, i32) {
    %c0_i32 = arith.constant 0 : i32
    %c0_i32_0 = arith.constant 0 : i32
    return %arg0, %c0_i32 : i32, i32
  }
  func.func @transform_3(%arg0: i32) -> (i32, i32) {
    %c0_i32 = arith.constant 0 : i32
    %c0_i32_0 = arith.constant 0 : i32
    return %arg0, %c0_i32 : i32, i32
  }
  func.func @transform_4(%arg0: i32) -> (i32, i32) {
    %c0_i32 = arith.constant 0 : i32
    %c0_i32_0 = arith.constant 0 : i32
    return %arg0, %c0_i32 : i32, i32
  }
  func.func @transform_5(%arg0: i32) -> (i32, i32) {
    %c0_i32 = arith.constant 0 : i32
    %c0_i32_0 = arith.constant 0 : i32
    return %arg0, %c0_i32 : i32, i32
  }
}

module attributes {stable_mosaic.version = 14 : i64} {
  func.func @_k2_body(%arg0: i32, %arg1: memref<1000x128xf32, #tpu.memory_space<vmem>>, %arg2: memref<1000x128xf32, #tpu.memory_space<vmem>>, %arg3: memref<1000x128xf32, #tpu.memory_space<vmem>>, %arg4: memref<1000x128xf32, #tpu.memory_space<vmem>>, %arg5: memref<1x128xf32, #tpu.memory_space<vmem>>, %arg6: memref<128x128xf32, #tpu.memory_space<vmem>>, %arg7: memref<1000x128xf32, #tpu.memory_space<vmem>>) attributes {dimension_semantics = [#tpu.dimension_semantics<arbitrary>], iteration_bounds = array<i64: 10>, scalar_prefetch = 0 : i64, scratch_operands = 0 : i64, tpu.core_type = #tpu.core_type<tc>, window_params = [{transform_indices = @transform_0, window_bounds = array<i64: 1000, 128>}, {transform_indices = @transform_1, window_bounds = array<i64: 1000, 128>}, {transform_indices = @transform_2, window_bounds = array<i64: 1000, 128>}, {transform_indices = @transform_3, window_bounds = array<i64: 1000, 128>}, {pipeline_mode = #tpu.pipeline_mode<synchronous>, transform_indices = @transform_4, window_bounds = array<i64: 1, 128>}, {pipeline_mode = #tpu.pipeline_mode<synchronous>, transform_indices = @transform_5, window_bounds = array<i64: 128, 128>}, {transform_indices = @transform_6, window_bounds = array<i64: 1000, 128>}]} {
    %get3A = arith.constant 0 : index
    %get3A_0 = arith.constant 0 : index
    %get3A_1 = vector.load %arg4[%get3A, %get3A_0] : memref<1000x128xf32, #tpu.memory_space<vmem>>, vector<1000x128xf32>
    %get3A_2 = arith.constant 0 : index
    %get3A_3 = arith.constant 0 : index
    %get3A_4 = vector.load %arg1[%get3A_2, %get3A_3] : memref<1000x128xf32, #tpu.memory_space<vmem>>, vector<1000x128xf32>
    %get3A_5 = arith.constant 0 : index
    %get3A_6 = arith.constant 0 : index
    %get3A_7 = vector.load %arg2[%get3A_5, %get3A_6] : memref<1000x128xf32, #tpu.memory_space<vmem>>, vector<1000x128xf32>
    %add3A = arith.addf %get3A_4, %get3A_7 : vector<1000x128xf32>
    %get3A_8 = arith.constant 0 : index
    %get3A_9 = arith.constant 0 : index
    %get3A_10 = vector.load %arg3[%get3A_8, %get3A_9] : memref<1000x128xf32, #tpu.memory_space<vmem>>, vector<1000x128xf32>
    %add3A_11 = arith.addf %add3A, %get3A_10 : vector<1000x128xf32>
    %mul3A = arith.mulf %get3A_1, %add3A_11 : vector<1000x128xf32>
    %get3A_12 = arith.constant 0 : index
    %get3A_13 = arith.constant 0 : index
    %get3A_14 = vector.load %arg5[%get3A_12, %get3A_13] : memref<1x128xf32, #tpu.memory_space<vmem>>, vector<1x128xf32>
    %add3A_15 = vector.broadcast %get3A_14 : vector<1x128xf32> to vector<1000x128xf32>
    %add3A_16 = arith.addf %mul3A, %add3A_15 : vector<1000x128xf32>
    %max3A = arith.constant 0.000000e+00 : f32
    %max3A_17 = vector.broadcast %max3A : f32 to vector<1000x128xf32>
    %max3A_18 = arith.maximumf %add3A_16, %max3A_17 : vector<1000x128xf32>
    %get3A_19 = arith.constant 0 : index
    %get3A_20 = arith.constant 0 : index
    %get3A_21 = vector.load %arg6[%get3A_19, %get3A_20] : memref<128x128xf32, #tpu.memory_space<vmem>>, vector<128x128xf32>
    %dot_general3A = arith.constant dense<0.000000e+00> : vector<1000x128xf32>
    %dot_general3A_22 = tpu.matmul %max3A_18, %get3A_21, %dot_general3A {dimension_numbers = #tpu.dot_dimension_numbers<[1], [0], [0], [1], [0, 0, 1, 1], [], []>, transpose_lhs_hint = false} : vector<1000x128xf32>, vector<128x128xf32>, vector<1000x128xf32> -> vector<1000x128xf32>
    %mul3A_23 = arith.mulf %dot_general3A_22, %get3A_1 : vector<1000x128xf32>
    %swap3A = arith.constant 0 : index
    %swap3A_24 = arith.constant 0 : index
    %swap3A_25 = vector.load %arg7[%swap3A, %swap3A_24] : memref<1000x128xf32, #tpu.memory_space<vmem>>, vector<1000x128xf32>
    tpu.vector_store %arg7[%swap3A, %swap3A_24], %mul3A_23 {strides = array<i32>} : memref<1000x128xf32, #tpu.memory_space<vmem>>, vector<1000x128xf32>,
    return
  }
  func.func @transform_0(%arg0: i32) -> (i32, i32) {
    %c0_i32 = arith.constant 0 : i32
    %c0_i32_0 = arith.constant 0 : i32
    return %arg0, %c0_i32 : i32, i32
  }
  func.func @transform_1(%arg0: i32) -> (i32, i32) {
    %c0_i32 = arith.constant 0 : i32
    %c0_i32_0 = arith.constant 0 : i32
    return %arg0, %c0_i32 : i32, i32
  }
  func.func @transform_2(%arg0: i32) -> (i32, i32) {
    %c0_i32 = arith.constant 0 : i32
    %c0_i32_0 = arith.constant 0 : i32
    return %arg0, %c0_i32 : i32, i32
  }
  func.func @transform_3(%arg0: i32) -> (i32, i32) {
    %c0_i32 = arith.constant 0 : i32
    %c0_i32_0 = arith.constant 0 : i32
    return %arg0, %c0_i32 : i32, i32
  }
  func.func @transform_4(%arg0: i32) -> (i32, i32) {
    %c0_i32 = arith.constant 0 : i32
    %c0_i32_0 = arith.constant 0 : i32
    %c0_i32_1 = arith.constant 0 : i32
    return %c0_i32, %c0_i32_0 : i32, i32
  }
  func.func @transform_5(%arg0: i32) -> (i32, i32) {
    %c0_i32 = arith.constant 0 : i32
    %c0_i32_0 = arith.constant 0 : i32
    %c0_i32_1 = arith.constant 0 : i32
    return %c0_i32, %c0_i32_0 : i32, i32
  }
  func.func @transform_6(%arg0: i32) -> (i32, i32) {
    %c0_i32 = arith.constant 0 : i32
    %c0_i32_0 = arith.constant 0 : i32
    return %arg0, %c0_i32 : i32, i32
  }
}

module attributes {stable_mosaic.version = 14 : i64} {
  func.func @_k3_body(%arg0: i32, %arg1: memref<1000x128xf32, #tpu.memory_space<vmem>>, %arg2: memref<1000x128xf32, #tpu.memory_space<vmem>>, %arg3: memref<1000x128xf32, #tpu.memory_space<vmem>>, %arg4: memref<1000x128xf32, #tpu.memory_space<vmem>>, %arg5: memref<1x128xf32, #tpu.memory_space<vmem>>, %arg6: memref<1000x128xf32, #tpu.memory_space<vmem>>) attributes {dimension_semantics = [#tpu.dimension_semantics<arbitrary>], iteration_bounds = array<i64: 10>, scalar_prefetch = 0 : i64, scratch_operands = 0 : i64, tpu.core_type = #tpu.core_type<tc>, window_params = [{transform_indices = @transform_0, window_bounds = array<i64: 1000, 128>}, {transform_indices = @transform_1, window_bounds = array<i64: 1000, 128>}, {transform_indices = @transform_2, window_bounds = array<i64: 1000, 128>}, {transform_indices = @transform_3, window_bounds = array<i64: 1000, 128>}, {pipeline_mode = #tpu.pipeline_mode<synchronous>, transform_indices = @transform_4, window_bounds = array<i64: 1, 128>}, {transform_indices = @transform_5, window_bounds = array<i64: 1000, 128>}]} {
    %get3A = arith.constant 0 : index
    %get3A_0 = arith.constant 0 : index
    %get3A_1 = vector.load %arg4[%get3A, %get3A_0] : memref<1000x128xf32, #tpu.memory_space<vmem>>, vector<1000x128xf32>
    %get3A_2 = arith.constant 0 : index
    %get3A_3 = arith.constant 0 : index
    %get3A_4 = vector.load %arg1[%get3A_2, %get3A_3] : memref<1000x128xf32, #tpu.memory_space<vmem>>, vector<1000x128xf32>
    %get3A_5 = arith.constant 0 : index
    %get3A_6 = arith.constant 0 : index
    %get3A_7 = vector.load %arg2[%get3A_5, %get3A_6] : memref<1000x128xf32, #tpu.memory_space<vmem>>, vector<1000x128xf32>
    %add3A = arith.addf %get3A_4, %get3A_7 : vector<1000x128xf32>
    %get3A_8 = arith.constant 0 : index
    %get3A_9 = arith.constant 0 : index
    %get3A_10 = vector.load %arg3[%get3A_8, %get3A_9] : memref<1000x128xf32, #tpu.memory_space<vmem>>, vector<1000x128xf32>
    %add3A_11 = arith.addf %add3A, %get3A_10 : vector<1000x128xf32>
    %mul3A = arith.mulf %get3A_1, %add3A_11 : vector<1000x128xf32>
    %get3A_12 = arith.constant 0 : index
    %get3A_13 = arith.constant 0 : index
    %get3A_14 = vector.load %arg5[%get3A_12, %get3A_13] : memref<1x128xf32, #tpu.memory_space<vmem>>, vector<1x128xf32>
    %add3A_15 = vector.broadcast %get3A_14 : vector<1x128xf32> to vector<1000x128xf32>
    %add3A_16 = arith.addf %mul3A, %add3A_15 : vector<1000x128xf32>
    %swap3A = arith.constant 0 : index
    %swap3A_17 = arith.constant 0 : index
    %swap3A_18 = vector.load %arg6[%swap3A, %swap3A_17] : memref<1000x128xf32, #tpu.memory_space<vmem>>, vector<1000x128xf32>
    tpu.vector_store %arg6[%swap3A, %swap3A_17], %add3A_16 {strides = array<i32>} : memref<1000x128xf32, #tpu.memory_space<vmem>>, vector<1000x128xf32>,
    return
  }
  func.func @transform_0(%arg0: i32) -> (i32, i32) {
    %c0_i32 = arith.constant 0 : i32
    %c0_i32_0 = arith.constant 0 : i32
    return %arg0, %c0_i32 : i32, i32
  }
  func.func @transform_1(%arg0: i32) -> (i32, i32) {
    %c0_i32 = arith.constant 0 : i32
    %c0_i32_0 = arith.constant 0 : i32
    return %arg0, %c0_i32 : i32, i32
  }
  func.func @transform_2(%arg0: i32) -> (i32, i32) {
    %c0_i32 = arith.constant 0 : i32
    %c0_i32_0 = arith.constant 0 : i32
    return %arg0, %c0_i32 : i32, i32
  }
  func.func @transform_3(%arg0: i32) -> (i32, i32) {
    %c0_i32 = arith.constant 0 : i32
    %c0_i32_0 = arith.constant 0 : i32
    return %arg0, %c0_i32 : i32, i32
  }
  func.func @transform_4(%arg0: i32) -> (i32, i32) {
    %c0_i32 = arith.constant 0 : i32
    %c0_i32_0 = arith.constant 0 : i32
    %c0_i32_1 = arith.constant 0 : i32
    return %c0_i32, %c0_i32_0 : i32, i32
  }
  func.func @transform_5(%arg0: i32) -> (i32, i32) {
    %c0_i32 = arith.constant 0 : i32
    %c0_i32_0 = arith.constant 0 : i32
    return %arg0, %c0_i32 : i32, i32
  }
}

</mosaic_0001>

<sc_bundles>
// kernel: kernel.11.cloned.1.call-start
scs
__scs_entry_jumppad:
0x0: {  	(pc) =	sbr.rel $0x88, $3  }
0x1: {  	(tag) =	ssettag $0x0;
	lr =	simm.s32 $0x1  }
0x2: {  	[smem:$0x3F9B] =	sst lr;
	_ =	strace $0xD0000000  }
0x3: {  	_ = 	snop  }
0x4: {  	_ = 	snop  }
0x5: {  	_ = 	snop  }
0x6: {  	_ = 	snop  }
0x7: {  	_ = 	snop  }
__scs_overlays_trampoline_lowered:
0x8: {  	[smem:$0x3FAA] =	sst s0  }
0x9: {  	[smem:$0x3FAB] =	sst s1  }
0xa: {  	[smem:$0x3FAC] =	sst s2  }
0xb: {  	[smem:$0x3FAD] =	sst s3  }
0xc: {  	[smem:$0x3FAE] =	sst s4  }
0xd: {  	[smem:$0x3FAF] =	sst s5  }
0xe: {  	[smem:$0x3FB0] =	sst s6  }
0xf: {  	[smem:$0x3FB1] =	sst s7  }
0x10: {  	[smem:$0x3FB2] =	sst s8  }
0x11: {  	[smem:$0x3FB3] =	sst s9;
	s0 =	simm.s32 @!p0 $0x0  }
0x12: {  	s1 =	sld [smem:$0x3F99];
	s0 =	simm.s32 @p0 $0x1  }
0x13: {  	[smem:$0x3FB4] =	sst s0;
	s0 =	simm.s32 @!p1 $0x0  }
0x14: {  	s2 =	sld [smem:$0x3F98];
	s0 =	simm.s32 @p1 $0x1  }
0x15: {  	[smem:$0x3FB5] =	sst s0;
	s0 =	simm.s32 @!p2 $0x0  }
0x16: {  	s3 =	sld [smem:$0x3FDB];
	s0 =	simm.s32 @p2 $0x1  }
0x17: {  	s4 =	simm.s32 $0x1BF5;
	[smem:$0x3FB7] =	sst s0  }
0x18: {  	s0 =	sld [smem:$0x3F9A];
	_ =	swait.ge [sflag:s4], $0x0  }
0x19: {  	s7 =	sld [smem:$0x3F9B]  }
0x1a: {  	s8 =	sadd.s32 $0xFFFFE003, lr  }
0x1b: {  	s9 =	sadd.s32 $0xFFFFFEF7, lr;
	s5 =	simm.s32 $0xFFFFFFFF;
	p2 =	slt.u32 s8, $0xFFFFF086  }
0x1c: {  	p1 =	slt.u32 s9, $0xF7A;
	s5 =	simm.s32 @!p2 $0x0  }
0x1d: {  	s5 =	simm.s32 @p1 $0x1;
	p0 =	seq.s32 s7, s2  }
0x1e: {  	s7 =	smul.u32 @!p0 $0xF7A, s2;
	p2 =	seq.s32 @!p0 s5, $0x0  }
0x1f: {  	s9 =	smul.u32 $0xF7A, s1;
	s8 =	simm.s32 @!p0 $0x1BF5;
	p2 =	por !p2, p0  }
0x20: {  	[sflag:s8] =	ssyncset.s32 @!p0 $0xFFFFF086;
	s6 =	sadd.s32 @!p0 s3, s7;
	s7 =	simm.s32 @!p0 $0x108  }
0x21: {  	s3 =	sadd.s32 s3, s9;
	s6 =	sadd.s32 @!p0 $0x88, s6;
	s7 =	simm.s32 @p2 $0x1082  }
0x22: {  	[simem:s7], [sflag:s8] =	dma.local @!p0 [hbm:s6], $0xF7A  }
0x23: {  	s9 =	sor.u32 $0xD0000000, s2;
	s6 =	simm.s32 $0x108;
	_ =	swait.ge @!p0 [sflag:s8], $0x0  }
0x24: {  	s3 =	sadd.s32 $0x88, s3;
	s6 =	simm.s32 @!p1 $0x1082;
	[sflag:s4] =	ssyncset.s32 $0xFFFFF086  }
0x25: {  	[simem:s6], [sflag:s4] =	dma.local [hbm:s3], $0xF7A  }
0x26: {  	[smem:$0x3F9B] =	sst s1;
	(tag) =	ssettag s2;
	_ =	strace s9  }
0x27: {  	s1 =	sld [smem:$0x3FAB]  }
0x28: {  	s2 =	sld [smem:$0x3FAC]  }
0x29: {  	s4 =	sld [smem:$0x3FAE]  }
0x2a: {  	p0 =	seq.s32 s5, $0x0;
	s5 =	sld [smem:$0x3FAF]  }
0x2b: {  	s6 =	sld [smem:$0x3FB0]  }
0x2c: {  	s7 =	sld [smem:$0x3FB1]  }
0x2d: {  	s3 =	simm.s32 $0x108;
	s8 =	sld [smem:$0x3FB2]  }
0x2e: {  	s3 =	simm.s32 @!p0 $0x1082;
	s9 =	sld [smem:$0x3FB3]  }
0x2f: {  	lr =	sadd.s32 s0, s3;
	s0 =	sld [smem:$0x3FAA]  }
0x30: {  	s3 =	sld [smem:$0x3FAD]  }
0x31: {  	[smem:$0x3FB6] =	sst s10  }
0x32: {  	s10 =	sld [smem:$0x3FB4];
	_ =	sdelay $0x3  }
0x33: {  	p0 =	seq.s32 s10, $0x1;
	s10 =	sld [smem:$0x3FB6];
	_ =	sdelay $0x3  }
0x34: {  	[smem:$0x3FB6] =	sst s10  }
0x35: {  	s10 =	sld [smem:$0x3FB5];
	_ =	sdelay $0x3  }
0x36: {  	p1 =	seq.s32 s10, $0x1;
	s10 =	sld [smem:$0x3FB6];
	_ =	sdelay $0x3  }
0x37: {  	[smem:$0x3FB6] =	sst s10  }
0x38: {  	s10 =	sld [smem:$0x3FB7]  }
0x39: {  	_ = 	snop;
	(pc) =	sbr.ind lr, $3  }
0x3a: {  	_ = 	snop  }
0x3b: {  	_ = 	snop  }
0x3c: {  	p2 =	seq.s32 s10, $0x1;
	s10 =	sld [smem:$0x3FB6]  }
0x3d: {  	_ =	shalt  }
0x3e: {  	_ =	shalt  }
0x3f: {  	_ =	shalt  }
0x40: {  	_ =	shalt  }
0x41: {  	_ =	shalt  }
0x42: {  	_ =	shalt  }
0x43: {  	_ =	shalt  }
0x44: {  	_ =	shalt  }
0x45: {  	_ =	shalt  }
0x46: {  	_ =	shalt  }
0x47: {  	_ =	shalt  }
0x48: {  	_ =	shalt  }
0x49: {  	_ =	shalt  }
0x4a: {  	_ =	shalt  }
0x4b: {  	_ =	shalt  }
0x4c: {  	_ =	shalt  }
0x4d: {  	_ =	shalt  }
0x4e: {  	_ =	shalt  }
0x4f: {  	_ =	shalt  }
0x50: {  	_ =	shalt  }
0x51: {  	_ =	shalt  }
0x52: {  	_ =	shalt  }
0x53: {  	_ =	shalt  }
0x54: {  	_ =	shalt  }
0x55: {  	_ =	shalt  }
0x56: {  	_ =	shalt  }
0x57: {  	_ =	shalt  }
0x58: {  	_ =	shalt  }
0x59: {  	_ =	shalt  }
0x5a: {  	_ =	shalt  }
0x5b: {  	_ =	shalt  }
0x5c: {  	_ =	shalt  }
0x5d: {  	_ =	shalt  }
0x5e: {  	_ =	shalt  }
0x5f: {  	_ =	shalt  }
0x60: {  	_ =	shalt  }
0x61: {  	_ =	shalt  }
0x62: {  	_ =	shalt  }
0x63: {  	_ =	shalt  }
0x64: {  	_ =	shalt  }
0x65: {  	_ =	shalt  }
0x66: {  	_ =	shalt  }
0x67: {  	_ =	shalt  }
0x68: {  	_ =	shalt  }
0x69: {  	_ =	shalt  }
0x6a: {  	_ =	shalt  }
0x6b: {  	_ =	shalt  }
0x6c: {  	_ =	shalt  }
0x6d: {  	_ =	shalt  }
0x6e: {  	_ =	shalt  }
0x6f: {  	_ =	shalt  }
0x70: {  	_ =	shalt  }
0x71: {  	_ =	shalt  }
0x72: {  	_ =	shalt  }
0x73: {  	_ =	shalt  }
0x74: {  	_ =	shalt  }
0x75: {  	_ =	shalt  }
0x76: {  	_ =	shalt  }
0x77: {  	_ =	shalt  }
0x78: {  	_ =	shalt  }
0x79: {  	_ =	shalt  }
0x7a: {  	_ =	shalt  }
0x7b: {  	_ =	shalt  }
0x7c: {  	_ =	shalt  }
0x7d: {  	_ =	shalt  }
0x7e: {  	_ =	shalt  }
0x7f: {  	_ =	shalt  }
0x80: {  	_ =	shalt  }
0x81: {  	_ =	shalt  }
0x82: {  	_ =	shalt  }
0x83: {  	_ =	shalt  }
0x84: {  	_ =	shalt  }
0x85: {  	_ =	shalt  }
0x86: {  	_ =	shalt  }
0x87: {  	_ =	shalt  }
.Lfunc_end0:
.L_simem_size_0:
called_computation.1_lowered:
.L_overlay_start_0:
0x88: {  	s2 =	sld [smem:$0x3FD9]  }
0x89: {  	s3 =	sld [smem:$0x3FFE];
	_ =	sdelay $0x1  }
0x8a: {  	s1 =	srdreg.scid  }
0x8b: {  	s0 =	sand.u32 $0x1, s1  }
0x8c: {  	s17 =	sshll.u32 s0, $0xA;
	s2 =	sadd.s32 s3, s2  }
0x8d: {  	s2 =	sadd.s32 s2, s17  }
0x8e: {  	[smem:$0x3FC2] =	sst s2  }
0x8f: {  	_ = 	snop  }
0x90: {  	s2 =	sld [smem:$0x3FD0];
	(tm) =	ssettm $0x1  }
0x91: {  	s18 =	sld [smem:$0x3FFB];
	_ =	sdelay $0x3  }
0x92: {  	_ =	strace s18  }
0x93: {  	s3 =	sld [smem:$0x3FFC];
	_ =	sdelay $0x3  }
0x94: {  	_ =	strace s3  }
0x95: {  	s3 =	sld [smem:$0x3FFD];
	_ =	sdelay $0x3  }
0x96: {  	_ =	strace s3  }
0x97: {  	_ =	strace $0x8FFFFFFF  }
0x98: {  	s19 =	sld [smem:$0x3FDB];
	_ =	sdelay $0x1  }
0x99: {  	s4 =	simm.s32 $_scs_section_size  }
0x9a: {  	s5 =	simm.s32 $_size__tile_overlayer_lowered;
	s6 =	simm.s32 $_tile_overlayer_lowered  }
0x9b: {  	s22 =	simm.s32 $0x1BFF;
	s21 =	sshll.u32 s6, $0x1;
	s3 =	sadd.s32 s4, s19  }
0x9c: {  	s7 =	simm.s32 $0x0;
	s20 =	sshll.u32 s5, $0x1;
	s5 =	sadd.s32 s21, s3  }
0x9d: {  	[timem:s7], [sflag:s22] =	dma.local [hbm:s5], s20  }
0x9e: {  	_ =	swait.ge [sflag:s22], s20  }
0x9f: {  	s4 =	ssub.s32 $0x0, s20;
	[sflag:s22] =	ssyncset.done $0x0  }
0xa0: {  	[sflag:s22] =	ssyncadd.s32 s4;
	_ =	sdelay $0x1  }
0xa1: {  	s23 =	simm.s32 $0x1B8B  }
0xa2: {  	_ =	swait.ge [sflag:s23], $0x1  }
0xa3: {  	[sflag:s23] =	ssyncset.done $0x0  }
0xa4: {  	s25 =	simm.s32 $0x1B8E;
	s24 =	sld [smem:$0x3FFE];
	[sflag:s23] =	ssyncadd.s32 $0xFFFFFFFF  }
0xa5: {  	s26 =	simm.s32 $execute0_lowered;
	[smem:$0x3FD2] =	sst s25  }
0xa6: {  	s5 =	sshll.u32 s26, $0x1;
	_ =	strace $0x80000049;
	[dreg:$0x1] =	wrdreg $0xFFFFFFFF  }
0xa7: {  	s28 =	simm.s32 $_size_execute0_lowered;
	s3 =	sadd.s32 s3, s5;
	[dreg:$0x0] =	wrdreg $0x0  }
0xa8: {  	s5 =	sshll.u32 s28, $0x1;
	[dreg:$0x2] =	wrdreg s3  }
0xa9: {  	[dreg:$0x3] =	wrdreg s5  }
0xaa: {  	[dreg:$0x4] =	wrdreg $0xC0  }
0xab: {  	_ =	task [dreg:s7], $0x5FFFF  }
0xac: {  	[dreg:$0x1] =	wrdreg $0xFFFFFFFF  }
0xad: {  	[dreg:$0x0] =	wrdreg $0x60  }
0xae: {  	[dreg:$0x2] =	wrdreg s2  }
0xaf: {  	[dreg:$0x3] =	wrdreg s24  }
0xb0: {  	[dreg:$0x4] =	wrdreg $0x90000  }
0xb1: {  	[dreg:$0x5] =	wrdreg $0x9  }
0xb2: {  	_ =	task.clear_ibuf [dreg:s7], $0x6FFFF;
	_ =	strace $0x90000049  }
0xb3: {  	s29 =	simm.s32 $0x9;
	_ =	strace $0x8000004B  }
0xb4: {  	_ =	swait.ge [sflag:s29], $0x1  }
0xb5: {  	[sflag:s29] =	ssyncadd.s32 $0xFFFFFFFF  }
0xb6: {  	_ =	strace $0x9000004B  }
0xb7: {  	_ =	sfence  }
0xb8: {  	s30 =	sld [smem:$0x0];
	_ =	sdelay $0x2  }
0xb9: {  	s31 =	sshll.u32 s1, $0xD;
	s1 =	sshrl.u32 s1, $0x2  }
0xba: {  	s3 =	sand.u32 $0x4000, s31;
	s1 =	sadd.s32 s1, s30  }
0xbb: {  	s0 =	sor.u32 s3, s0;
	s1 =	sshll.u32 s1, $0x11  }
0xbc: {  	s0 =	sor.u32 s1, s0  }
0xbd: {  	s0 =	sadd.s32 $0x8F2B, s0  }
0xbe: {  	[sflag:s0] =	ssyncadd.remote.s32 $0x1  }
0xbf: {  	_ =	sfence.sel $0xFFFF  }
0xc0: {  	[dreg:$0x0] =	wrdreg $0xFFFFFFFF;
	(pc) =	sbr.abs _section_cstart, $3  }
0xc1: {  	[dreg:$0x1] =	wrdreg $0xFFFFFFFF  }
0xc2: {  	_ =	task.clear_ibuf [dreg:s7], $0x2FFFF;
	_ =	strace $0x9FFFFFFF  }
0xc3: {  	(tm) =	ssettm $0x7FFFFFFF  }
tec
execute0_lowered:
.L_overlay_start_1:
0x0: {  	(tag) =	ssettag $0x1  }
0x1: {  	s1 =	rddreg [dreg:$0x0]  }
0x2: {  	s0 =	srdreg.scid;
	s6 =	rddreg [dreg:$0x1]  }
0x3: {  	s3 =	rddreg [dreg:$0x2];
	s4 =	simm.s32 $0x0;
	s14 =	simm.s32 $0x80  }
0x4: {  	s15 =	simm.s32 $0x5000;
	s5 =	sand.u32 $0x1, s0;
	s0 =	stileid.u32  }
0x5: {  	s16 =	simm.s32 $0x1;
	s17 =	simm.s32 $0x0;
	s8 =	smul.u32 $0x2780, s0  }
0x6: {  	[smem:$0x7FF] =	sst s4;
	s2 =	sshll.u32 s5, $0x4;
	s9 =	smul.u32 $0x27800, s5  }
0x7: {  	s5 =	ssub.s32 $0x2, s5;
	s10 =	smul.u32 $0x4F000, s0;
	s12 =	sshll.u32 s0, $0x6  }
0x8: {  	s7 =	sor.u32 s0, s2;
	s2 =	rddreg [dreg:$0x3];
	_ =	strace $0x8000004A  }
0x9: {  	s31 =	sshrl.u32 s5, $0x1;
	s12 =	sor.u32 $0x1C02, s12;
	s7 =	smul.u32 $0x500, s7  }
0xa: {  	s11 =	sadd.s32 s8, s6;
	s8 =	sadd.s32 s8, s9;
	s10 =	sshrl.u32 s10, $0x2  }
0xb: {  	s9 =	ssub.s32 s5, s31;
	s8 =	sadd.s32 s8, s6;
	s13 =	sadd.s32 s10, s3  }
0xc: {  	s9 =	smax.u32 s9, $0x1;
	s10 =	simm.s32 $0x2;
	s7 =	sadd.s32 s7, s6  }
0xd: {  	s8 =	sadd.s32 $0x8DC00, s8;
	s13 =	sshrl.u32 s13, $0x3;
	s5 =	sadd.s32 $0x83C00, s7  }
0xe: {  	s6 =	sadd.s32 $0x3400, s7;
	s7 =	sadd.s32 $0xD400, s11;
	s11 =	simm.s32 $0x2800  }
.LBB2_1:
0xf: {  	[tilespmem:s4], [sflag:$0x2] =	stream.linear.gather [hbm4b:s5+s4], $0x2780, $0x38;
	[tilespmem:$0x1CC00] =	vst v63  }
0x10: {  	_ =	swait.ge [sflag:s10], $0x2780  }
0x11: {  	[sflag:s10] =	ssyncset.done $0x0  }
0x12: {  	[sflag:s10] =	ssyncadd.s32 $0xFFFFD880  }
0x13: {  	[tilespmem:s11], [sflag:$0x2] =	stream.linear.gather [hbm4b:s6+s4], $0x2780, $0x38;
	[tilespmem:$0x1CC00] =	vst v63  }
0x14: {  	_ =	swait.ge [sflag:s10], $0x2780  }
0x15: {  	[sflag:s10] =	ssyncset.done $0x0  }
0x16: {  	[sflag:s10] =	ssyncadd.s32 $0xFFFFD880  }
0x17: {  	[spmem:s13], [sflag:s12] =	dma.local [hbm:s7], $0x2780  }
0x18: {  	_ =	swait.ge [sflag:s10], $0x2780  }
0x19: {  	[sflag:s10] =	ssyncset.done $0x0  }
0x1a: {  	[sflag:s10] =	ssyncadd.s32 $0xFFFFD880  }
0x1b: {  	s18 =	simm.s32 $0x0;
	[bflag:$0x0] =	sbarrier.arrive $0xFFFF  }
0x1c: {  	[tilespmem:s15], [sflag:$0x1] =	stream.indirect.gather [hbm4b:s1+s14], $0x80, s18, s14, $0xb8;
	[tilespmem:$0x1CC00] =	vst v63  }
0x1d: {  	_ =	swait.ge [sflag:s16], $0x4000  }
0x1e: {  	[sflag:s16] =	ssyncset.done $0x0  }
0x1f: {  	s31 =	simm.s32 $0x2800;
	[sflag:s16] =	ssyncadd.s32 $0xFFFFC000  }
0x20: {  	[spmem:s3] =	stream.indirect.scatter.add.f32 [tilespmem:s15], [sflag:$0x2], $0x80, s31, s14, $0xb8;
	[tilespmem:$0x1CC00] =	vst v63  }
0x21: {  	_ =	swait.ge [sflag:s10], $0x4000  }
0x22: {  	s19 =	simm.s32 $0x400;
	s18 =	simm.s32 $0x200;
	[sflag:s10] =	ssyncset.done $0x0  }
.LBB2_2:
0x23: {  	s20 =	sshra.s32 s18, $0x2  }
0x24: {  	[sflag:s10] =	ssyncadd.s32 $0xFFFFC000;
	s18 =	smov.u32 s19;
	s21 =	sadd.s32 $0x200, s19  }
0x25: {  	[tilespmem:s15], [sflag:$0x1] =	stream.indirect.gather [hbm4b:s1+s14], $0x80, s20, s14, $0xb8;
	[tilespmem:$0x1CC00] =	vst v63  }
0x26: {  	p0 =	sne.s32 s19, $0x9C00;
	_ =	swait.ge [sflag:s16], $0x4000  }
.Ltmp0:
0x27: {  	[sflag:s16] =	ssyncset.done $0x0;
	(pc) =	sbr.rel @p0 .LBB2_2-.Ltmp0, $4  }
0x28: {  	s19 =	sadd.s32 $0x2800, s20;
	[sflag:s16] =	ssyncadd.s32 $0xFFFFC000  }
0x29: {  	[spmem:s3] =	stream.indirect.scatter.add.f32 [tilespmem:s15], [sflag:$0x2], $0x80, s19, s14, $0xb8;
	[tilespmem:$0x1CC00] =	vst v63  }
0x2a: {  	_ =	swait.ge [sflag:s10], $0x4000  }
0x2b: {  	s19 =	smov.u32 s21;
	[sflag:s10] =	ssyncset.done $0x0  }
0x2c: {  	s18 =	sshra.s32 s18, $0x2;
	[sflag:s10] =	ssyncadd.s32 $0xFFFFC000  }
0x2d: {  	[tilespmem:s15], [sflag:$0x1] =	stream.indirect.gather [hbm4b:s1+s14], $0x80, s18, s14, $0xb8;
	[tilespmem:$0x1CC00] =	vst v63  }
0x2e: {  	_ =	swait.ge [sflag:s16], $0x4000  }
0x2f: {  	[sflag:s16] =	ssyncset.done $0x0  }
0x30: {  	s18 =	sadd.s32 $0x2800, s18;
	[sflag:s16] =	ssyncadd.s32 $0xFFFFC000  }
0x31: {  	[spmem:s3] =	stream.indirect.scatter.add.f32 [tilespmem:s15], [sflag:$0x2], $0x80, s18, s14, $0xb8;
	[tilespmem:$0x1CC00] =	vst v63  }
0x32: {  	_ =	swait.ge [sflag:s10], $0x4000  }
0x33: {  	s17 =	sadd.s32 $0x1, s17;
	[sflag:s10] =	ssyncset.done $0x0  }
0x34: {  	p0 =	sne.s32 s17, s9;
	[sflag:s10] =	ssyncadd.s32 $0xFFFFC000  }
.Ltmp1:
0x35: {  	[bflag:$0x0] =	sbarrier.arrive $0xFFFF;
	(pc) =	sbr.rel @p0 .LBB2_1-.Ltmp1, $4  }
0x36: {  	[hbm:s8], [sflag:s12] =	dma.local [spmem:s13], $0x2780  }
0x37: {  	_ =	swait.ge [sflag:s10], $0x2780  }
0x38: {  	[sflag:s10] =	ssyncset.done $0x0  }
0x39: {  	[sflag:s10] =	ssyncadd.s32 $0xFFFFD880  }
0x3a: {  	_ =	sfence.sel $0x180000  }
0x3b: {  	[bflag:$0x0] =	sbarrier.arrive $0xFFFF  }
0x3c: {  	p0 =	sne.s32 s0, $0x0;
	_ =	strace $0x9000004A  }
0x3d: {  	s0 =	sadd.s32 @!p0 $0x100000, s2;
	[bflag:$0x2] =	sbarrier.arrive $0xFFFF  }
0x3e: {  	[sflag:s0] =	ssyncadd.tile.s32 @!p0 $0x1;
	_ =	shalt  }
.Lfunc_end2:
_tile_overlayer_lowered:
.L_overlay_start_2:
0x3f: {  	(tag) =	ssettag $0x2  }
0x40: {  	s0 =	rddreg [dreg:$0x0];
	s2 =	stileid.u32  }
0x41: {  	s1 =	rddreg [dreg:$0x1];
	p0 =	sne.s32 s2, $0x0  }
0x42: {  	s3 =	rddreg [dreg:$0x2];
	[bflag:$0x3] =	sbarrier.arrive $0xFFFF;
	s2 =	simm.s32 @!p0 $0x1C02  }
0x43: {  	[timem:s3], [sflag:s2] =	dma.local @!p0 [hbm:s0], s1  }
0x44: {  	s0 =	simm.s32 @!p0 $0x2  }
0x45: {  	_ =	swait.ge @!p0 [sflag:s0], s1  }
0x46: {  	s1 =	ssub.s32 @!p0 $0x0, s1;
	[sflag:s0] =	ssyncset.done @!p0 $0x0  }
0x47: {  	[sflag:s0] =	ssyncadd.s32 @!p0 s1  }
0x48: {  	[bflag:$0x3] =	sbarrier.arrive $0xFFFF  }
0x49: {  	_ =	shalt  }

// kernel: kernel.14.cloned.1.call-start
scs
__scs_entry_jumppad:
0x0: {  	(pc) =	sbr.rel $0x88, $3  }
0x1: {  	(tag) =	ssettag $0x0;
	lr =	simm.s32 $0x1  }
0x2: {  	[smem:$0x3F9B] =	sst lr;
	_ =	strace $0xD0000000  }
0x3: {  	_ = 	snop  }
0x4: {  	_ = 	snop  }
0x5: {  	_ = 	snop  }
0x6: {  	_ = 	snop  }
0x7: {  	_ = 	snop  }
__scs_overlays_trampoline_lowered:
0x8: {  	[smem:$0x3FAA] =	sst s0  }
0x9: {  	[smem:$0x3FAB] =	sst s1  }
0xa: {  	[smem:$0x3FAC] =	sst s2  }
0xb: {  	[smem:$0x3FAD] =	sst s3  }
0xc: {  	[smem:$0x3FAE] =	sst s4  }
0xd: {  	[smem:$0x3FAF] =	sst s5  }
0xe: {  	[smem:$0x3FB0] =	sst s6  }
0xf: {  	[smem:$0x3FB1] =	sst s7  }
0x10: {  	[smem:$0x3FB2] =	sst s8  }
0x11: {  	[smem:$0x3FB3] =	sst s9;
	s0 =	simm.s32 @!p0 $0x0  }
0x12: {  	s1 =	sld [smem:$0x3F99];
	s0 =	simm.s32 @p0 $0x1  }
0x13: {  	[smem:$0x3FB4] =	sst s0;
	s0 =	simm.s32 @!p1 $0x0  }
0x14: {  	s2 =	sld [smem:$0x3F98];
	s0 =	simm.s32 @p1 $0x1  }
0x15: {  	[smem:$0x3FB5] =	sst s0;
	s0 =	simm.s32 @!p2 $0x0  }
0x16: {  	s3 =	sld [smem:$0x3FDB];
	s0 =	simm.s32 @p2 $0x1  }
0x17: {  	s4 =	simm.s32 $0x1BF5;
	[smem:$0x3FB7] =	sst s0  }
0x18: {  	s0 =	sld [smem:$0x3F9A];
	_ =	swait.ge [sflag:s4], $0x0  }
0x19: {  	s7 =	sld [smem:$0x3F9B]  }
0x1a: {  	s8 =	sadd.s32 $0xFFFFE003, lr  }
0x1b: {  	s9 =	sadd.s32 $0xFFFFFEF7, lr;
	s5 =	simm.s32 $0xFFFFFFFF;
	p2 =	slt.u32 s8, $0xFFFFF086  }
0x1c: {  	p1 =	slt.u32 s9, $0xF7A;
	s5 =	simm.s32 @!p2 $0x0  }
0x1d: {  	s5 =	simm.s32 @p1 $0x1;
	p0 =	seq.s32 s7, s2  }
0x1e: {  	s7 =	smul.u32 @!p0 $0xF7A, s2;
	p2 =	seq.s32 @!p0 s5, $0x0  }
0x1f: {  	s9 =	smul.u32 $0xF7A, s1;
	s8 =	simm.s32 @!p0 $0x1BF5;
	p2 =	por !p2, p0  }
0x20: {  	[sflag:s8] =	ssyncset.s32 @!p0 $0xFFFFF086;
	s6 =	sadd.s32 @!p0 s3, s7;
	s7 =	simm.s32 @!p0 $0x108  }
0x21: {  	s3 =	sadd.s32 s3, s9;
	s6 =	sadd.s32 @!p0 $0x88, s6;
	s7 =	simm.s32 @p2 $0x1082  }
0x22: {  	[simem:s7], [sflag:s8] =	dma.local @!p0 [hbm:s6], $0xF7A  }
0x23: {  	s9 =	sor.u32 $0xD0000000, s2;
	s6 =	simm.s32 $0x108;
	_ =	swait.ge @!p0 [sflag:s8], $0x0  }
0x24: {  	s3 =	sadd.s32 $0x88, s3;
	s6 =	simm.s32 @!p1 $0x1082;
	[sflag:s4] =	ssyncset.s32 $0xFFFFF086  }
0x25: {  	[simem:s6], [sflag:s4] =	dma.local [hbm:s3], $0xF7A  }
0x26: {  	[smem:$0x3F9B] =	sst s1;
	(tag) =	ssettag s2;
	_ =	strace s9  }
0x27: {  	s1 =	sld [smem:$0x3FAB]  }
0x28: {  	s2 =	sld [smem:$0x3FAC]  }
0x29: {  	s4 =	sld [smem:$0x3FAE]  }
0x2a: {  	p0 =	seq.s32 s5, $0x0;
	s5 =	sld [smem:$0x3FAF]  }
0x2b: {  	s6 =	sld [smem:$0x3FB0]  }
0x2c: {  	s7 =	sld [smem:$0x3FB1]  }
0x2d: {  	s3 =	simm.s32 $0x108;
	s8 =	sld [smem:$0x3FB2]  }
0x2e: {  	s3 =	simm.s32 @!p0 $0x1082;
	s9 =	sld [smem:$0x3FB3]  }
0x2f: {  	lr =	sadd.s32 s0, s3;
	s0 =	sld [smem:$0x3FAA]  }
0x30: {  	s3 =	sld [smem:$0x3FAD]  }
0x31: {  	[smem:$0x3FB6] =	sst s10  }
0x32: {  	s10 =	sld [smem:$0x3FB4];
	_ =	sdelay $0x3  }
0x33: {  	p0 =	seq.s32 s10, $0x1;
	s10 =	sld [smem:$0x3FB6];
	_ =	sdelay $0x3  }
0x34: {  	[smem:$0x3FB6] =	sst s10  }
0x35: {  	s10 =	sld [smem:$0x3FB5];
	_ =	sdelay $0x3  }
0x36: {  	p1 =	seq.s32 s10, $0x1;
	s10 =	sld [smem:$0x3FB6];
	_ =	sdelay $0x3  }
0x37: {  	[smem:$0x3FB6] =	sst s10  }
0x38: {  	s10 =	sld [smem:$0x3FB7]  }
0x39: {  	_ = 	snop;
	(pc) =	sbr.ind lr, $3  }
0x3a: {  	_ = 	snop  }
0x3b: {  	_ = 	snop  }
0x3c: {  	p2 =	seq.s32 s10, $0x1;
	s10 =	sld [smem:$0x3FB6]  }
0x3d: {  	_ =	shalt  }
0x3e: {  	_ =	shalt  }
0x3f: {  	_ =	shalt  }
0x40: {  	_ =	shalt  }
0x41: {  	_ =	shalt  }
0x42: {  	_ =	shalt  }
0x43: {  	_ =	shalt  }
0x44: {  	_ =	shalt  }
0x45: {  	_ =	shalt  }
0x46: {  	_ =	shalt  }
0x47: {  	_ =	shalt  }
0x48: {  	_ =	shalt  }
0x49: {  	_ =	shalt  }
0x4a: {  	_ =	shalt  }
0x4b: {  	_ =	shalt  }
0x4c: {  	_ =	shalt  }
0x4d: {  	_ =	shalt  }
0x4e: {  	_ =	shalt  }
0x4f: {  	_ =	shalt  }
0x50: {  	_ =	shalt  }
0x51: {  	_ =	shalt  }
0x52: {  	_ =	shalt  }
0x53: {  	_ =	shalt  }
0x54: {  	_ =	shalt  }
0x55: {  	_ =	shalt  }
0x56: {  	_ =	shalt  }
0x57: {  	_ =	shalt  }
0x58: {  	_ =	shalt  }
0x59: {  	_ =	shalt  }
0x5a: {  	_ =	shalt  }
0x5b: {  	_ =	shalt  }
0x5c: {  	_ =	shalt  }
0x5d: {  	_ =	shalt  }
0x5e: {  	_ =	shalt  }
0x5f: {  	_ =	shalt  }
0x60: {  	_ =	shalt  }
0x61: {  	_ =	shalt  }
0x62: {  	_ =	shalt  }
0x63: {  	_ =	shalt  }
0x64: {  	_ =	shalt  }
0x65: {  	_ =	shalt  }
0x66: {  	_ =	shalt  }
0x67: {  	_ =	shalt  }
0x68: {  	_ =	shalt  }
0x69: {  	_ =	shalt  }
0x6a: {  	_ =	shalt  }
0x6b: {  	_ =	shalt  }
0x6c: {  	_ =	shalt  }
0x6d: {  	_ =	shalt  }
0x6e: {  	_ =	shalt  }
0x6f: {  	_ =	shalt  }
0x70: {  	_ =	shalt  }
0x71: {  	_ =	shalt  }
0x72: {  	_ =	shalt  }
0x73: {  	_ =	shalt  }
0x74: {  	_ =	shalt  }
0x75: {  	_ =	shalt  }
0x76: {  	_ =	shalt  }
0x77: {  	_ =	shalt  }
0x78: {  	_ =	shalt  }
0x79: {  	_ =	shalt  }
0x7a: {  	_ =	shalt  }
0x7b: {  	_ =	shalt  }
0x7c: {  	_ =	shalt  }
0x7d: {  	_ =	shalt  }
0x7e: {  	_ =	shalt  }
0x7f: {  	_ =	shalt  }
0x80: {  	_ =	shalt  }
0x81: {  	_ =	shalt  }
0x82: {  	_ =	shalt  }
0x83: {  	_ =	shalt  }
0x84: {  	_ =	shalt  }
0x85: {  	_ =	shalt  }
0x86: {  	_ =	shalt  }
0x87: {  	_ =	shalt  }
.Lfunc_end0:
.L_simem_size_0:
called_computation.2_lowered:
.L_overlay_start_0:
0x88: {  	s2 =	sld [smem:$0x3FD9]  }
0x89: {  	s3 =	sld [smem:$0x3FFE];
	_ =	sdelay $0x1  }
0x8a: {  	s1 =	srdreg.scid  }
0x8b: {  	s0 =	sand.u32 $0x1, s1  }
0x8c: {  	s17 =	sshll.u32 s0, $0xA;
	s2 =	sadd.s32 s3, s2  }
0x8d: {  	s2 =	sadd.s32 s2, s17  }
0x8e: {  	[smem:$0x3FC2] =	sst s2  }
0x8f: {  	_ = 	snop  }
0x90: {  	s2 =	sld [smem:$0x3FD0];
	(tm) =	ssettm $0x1  }
0x91: {  	s18 =	sld [smem:$0x3FFB];
	_ =	sdelay $0x3  }
0x92: {  	_ =	strace s18  }
0x93: {  	s3 =	sld [smem:$0x3FFC];
	_ =	sdelay $0x3  }
0x94: {  	_ =	strace s3  }
0x95: {  	s3 =	sld [smem:$0x3FFD];
	_ =	sdelay $0x3  }
0x96: {  	_ =	strace s3  }
0x97: {  	_ =	strace $0x8FFFFFFF  }
0x98: {  	s19 =	sld [smem:$0x3FDB];
	_ =	sdelay $0x1  }
0x99: {  	s4 =	simm.s32 $_scs_section_size  }
0x9a: {  	s5 =	simm.s32 $_size__tile_overlayer_lowered;
	s6 =	simm.s32 $_tile_overlayer_lowered  }
0x9b: {  	s22 =	simm.s32 $0x1BFF;
	s21 =	sshll.u32 s6, $0x1;
	s3 =	sadd.s32 s4, s19  }
0x9c: {  	s7 =	simm.s32 $0x0;
	s20 =	sshll.u32 s5, $0x1;
	s5 =	sadd.s32 s21, s3  }
0x9d: {  	[timem:s7], [sflag:s22] =	dma.local [hbm:s5], s20  }
0x9e: {  	_ =	swait.ge [sflag:s22], s20  }
0x9f: {  	s4 =	ssub.s32 $0x0, s20;
	[sflag:s22] =	ssyncset.done $0x0  }
0xa0: {  	[sflag:s22] =	ssyncadd.s32 s4;
	_ =	sdelay $0x1  }
0xa1: {  	s23 =	simm.s32 $0x1B8B  }
0xa2: {  	_ =	swait.ge [sflag:s23], $0x1  }
0xa3: {  	[sflag:s23] =	ssyncset.done $0x0  }
0xa4: {  	s25 =	simm.s32 $0x1B8E;
	s24 =	sld [smem:$0x3FFE];
	[sflag:s23] =	ssyncadd.s32 $0xFFFFFFFF  }
0xa5: {  	s26 =	simm.s32 $execute0_lowered;
	[smem:$0x3FD2] =	sst s25  }
0xa6: {  	s5 =	sshll.u32 s26, $0x1;
	_ =	strace $0x8000004C;
	[dreg:$0x1] =	wrdreg $0xFFFFFFFF  }
0xa7: {  	s28 =	simm.s32 $_size_execute0_lowered;
	s3 =	sadd.s32 s3, s5;
	[dreg:$0x0] =	wrdreg $0x0  }
0xa8: {  	s5 =	sshll.u32 s28, $0x1;
	[dreg:$0x2] =	wrdreg s3  }
0xa9: {  	[dreg:$0x3] =	wrdreg s5  }
0xaa: {  	[dreg:$0x4] =	wrdreg $0xC0  }
0xab: {  	_ =	task [dreg:s7], $0x5FFFF  }
0xac: {  	[dreg:$0x1] =	wrdreg $0xFFFFFFFF  }
0xad: {  	[dreg:$0x0] =	wrdreg $0x60  }
0xae: {  	[dreg:$0x2] =	wrdreg s2  }
0xaf: {  	[dreg:$0x3] =	wrdreg s24  }
0xb0: {  	[dreg:$0x4] =	wrdreg $0x90000  }
0xb1: {  	[dreg:$0x5] =	wrdreg $0x9  }
0xb2: {  	_ =	task.clear_ibuf [dreg:s7], $0x6FFFF;
	_ =	strace $0x9000004C  }
0xb3: {  	s29 =	simm.s32 $0x9;
	_ =	strace $0x8000004E  }
0xb4: {  	_ =	swait.ge [sflag:s29], $0x1  }
0xb5: {  	[sflag:s29] =	ssyncadd.s32 $0xFFFFFFFF  }
0xb6: {  	_ =	strace $0x9000004E  }
0xb7: {  	_ =	sfence  }
0xb8: {  	s30 =	sld [smem:$0x0];
	_ =	sdelay $0x2  }
0xb9: {  	s31 =	sshll.u32 s1, $0xD;
	s1 =	sshrl.u32 s1, $0x2  }
0xba: {  	s3 =	sand.u32 $0x4000, s31;
	s1 =	sadd.s32 s1, s30  }
0xbb: {  	s0 =	sor.u32 s3, s0;
	s1 =	sshll.u32 s1, $0x11  }
0xbc: {  	s0 =	sor.u32 s1, s0  }
0xbd: {  	s0 =	sadd.s32 $0x8F2B, s0  }
0xbe: {  	[sflag:s0] =	ssyncadd.remote.s32 $0x1  }
0xbf: {  	_ =	sfence.sel $0xFFFF  }
0xc0: {  	[dreg:$0x0] =	wrdreg $0xFFFFFFFF;
	(pc) =	sbr.abs _section_cstart, $3  }
0xc1: {  	[dreg:$0x1] =	wrdreg $0xFFFFFFFF  }
0xc2: {  	_ =	task.clear_ibuf [dreg:s7], $0x2FFFF;
	_ =	strace $0x9FFFFFFF  }
0xc3: {  	(tm) =	ssettm $0x7FFFFFFF  }
tec
execute0_lowered:
.L_overlay_start_1:
0x0: {  	(tag) =	ssettag $0x1  }
0x1: {  	s1 =	rddreg [dreg:$0x0]  }
0x2: {  	s0 =	srdreg.scid;
	s6 =	rddreg [dreg:$0x1]  }
0x3: {  	s3 =	rddreg [dreg:$0x2];
	s4 =	simm.s32 $0x0;
	s14 =	simm.s32 $0x80  }
0x4: {  	s15 =	simm.s32 $0x5000;
	s5 =	sand.u32 $0x1, s0;
	s0 =	stileid.u32  }
0x5: {  	s16 =	simm.s32 $0x1;
	s17 =	simm.s32 $0x0;
	s8 =	smul.u32 $0x2780, s0  }
0x6: {  	[smem:$0x7FF] =	sst s4;
	s2 =	sshll.u32 s5, $0x4;
	s9 =	smul.u32 $0x27800, s5  }
0x7: {  	s5 =	ssub.s32 $0x2, s5;
	s10 =	smul.u32 $0x4F000, s0;
	s12 =	sshll.u32 s0, $0x6  }
0x8: {  	s7 =	sor.u32 s0, s2;
	s2 =	rddreg [dreg:$0x3];
	_ =	strace $0x8000004D  }
0x9: {  	s31 =	sshrl.u32 s5, $0x1;
	s12 =	sor.u32 $0x1C02, s12;
	s7 =	smul.u32 $0x500, s7  }
0xa: {  	s11 =	sadd.s32 s8, s6;
	s8 =	sadd.s32 s8, s9;
	s10 =	sshrl.u32 s10, $0x2  }
0xb: {  	s9 =	ssub.s32 s5, s31;
	s8 =	sadd.s32 s8, s6;
	s13 =	sadd.s32 s10, s3  }
0xc: {  	s9 =	smax.u32 s9, $0x1;
	s10 =	simm.s32 $0x2;
	s7 =	sadd.s32 s7, s6  }
0xd: {  	s8 =	sadd.s32 $0x8DC00, s8;
	s13 =	sshrl.u32 s13, $0x3;
	s5 =	sadd.s32 $0x83C00, s7  }
0xe: {  	s6 =	sadd.s32 $0x3400, s7;
	s7 =	sadd.s32 $0xD400, s11;
	s11 =	simm.s32 $0x2800  }
.LBB2_1:
0xf: {  	[tilespmem:s4], [sflag:$0x2] =	stream.linear.gather [hbm4b:s5+s4], $0x2780, $0x38;
	[tilespmem:$0x1CC00] =	vst v63  }
0x10: {  	_ =	swait.ge [sflag:s10], $0x2780  }
0x11: {  	[sflag:s10] =	ssyncset.done $0x0  }
0x12: {  	[sflag:s10] =	ssyncadd.s32 $0xFFFFD880  }
0x13: {  	[tilespmem:s11], [sflag:$0x2] =	stream.linear.gather [hbm4b:s6+s4], $0x2780, $0x38;
	[tilespmem:$0x1CC00] =	vst v63  }
0x14: {  	_ =	swait.ge [sflag:s10], $0x2780  }
0x15: {  	[sflag:s10] =	ssyncset.done $0x0  }
0x16: {  	[sflag:s10] =	ssyncadd.s32 $0xFFFFD880  }
0x17: {  	[spmem:s13], [sflag:s12] =	dma.local [hbm:s7], $0x2780  }
0x18: {  	_ =	swait.ge [sflag:s10], $0x2780  }
0x19: {  	[sflag:s10] =	ssyncset.done $0x0  }
0x1a: {  	[sflag:s10] =	ssyncadd.s32 $0xFFFFD880  }
0x1b: {  	s18 =	simm.s32 $0x0;
	[bflag:$0x0] =	sbarrier.arrive $0xFFFF  }
0x1c: {  	[tilespmem:s15], [sflag:$0x1] =	stream.indirect.gather [hbm4b:s1+s14], $0x80, s18, s14, $0xb8;
	[tilespmem:$0x1CC00] =	vst v63  }
0x1d: {  	_ =	swait.ge [sflag:s16], $0x4000  }
0x1e: {  	[sflag:s16] =	ssyncset.done $0x0  }
0x1f: {  	s31 =	simm.s32 $0x2800;
	[sflag:s16] =	ssyncadd.s32 $0xFFFFC000  }
0x20: {  	[spmem:s3] =	stream.indirect.scatter.add.f32 [tilespmem:s15], [sflag:$0x2], $0x80, s31, s14, $0xb8;
	[tilespmem:$0x1CC00] =	vst v63  }
0x21: {  	_ =	swait.ge [sflag:s10], $0x4000  }
0x22: {  	s19 =	simm.s32 $0x400;
	s18 =	simm.s32 $0x200;
	[sflag:s10] =	ssyncset.done $0x0  }
.LBB2_2:
0x23: {  	s20 =	sshra.s32 s18, $0x2  }
0x24: {  	[sflag:s10] =	ssyncadd.s32 $0xFFFFC000;
	s18 =	smov.u32 s19;
	s21 =	sadd.s32 $0x200, s19  }
0x25: {  	[tilespmem:s15], [sflag:$0x1] =	stream.indirect.gather [hbm4b:s1+s14], $0x80, s20, s14, $0xb8;
	[tilespmem:$0x1CC00] =	vst v63  }
0x26: {  	p0 =	sne.s32 s19, $0x9C00;
	_ =	swait.ge [sflag:s16], $0x4000  }
.Ltmp0:
0x27: {  	[sflag:s16] =	ssyncset.done $0x0;
	(pc) =	sbr.rel @p0 .LBB2_2-.Ltmp0, $4  }
0x28: {  	s19 =	sadd.s32 $0x2800, s20;
	[sflag:s16] =	ssyncadd.s32 $0xFFFFC000  }
0x29: {  	[spmem:s3] =	stream.indirect.scatter.add.f32 [tilespmem:s15], [sflag:$0x2], $0x80, s19, s14, $0xb8;
	[tilespmem:$0x1CC00] =	vst v63  }
0x2a: {  	_ =	swait.ge [sflag:s10], $0x4000  }
0x2b: {  	s19 =	smov.u32 s21;
	[sflag:s10] =	ssyncset.done $0x0  }
0x2c: {  	s18 =	sshra.s32 s18, $0x2;
	[sflag:s10] =	ssyncadd.s32 $0xFFFFC000  }
0x2d: {  	[tilespmem:s15], [sflag:$0x1] =	stream.indirect.gather [hbm4b:s1+s14], $0x80, s18, s14, $0xb8;
	[tilespmem:$0x1CC00] =	vst v63  }
0x2e: {  	_ =	swait.ge [sflag:s16], $0x4000  }
0x2f: {  	[sflag:s16] =	ssyncset.done $0x0  }
0x30: {  	s18 =	sadd.s32 $0x2800, s18;
	[sflag:s16] =	ssyncadd.s32 $0xFFFFC000  }
0x31: {  	[spmem:s3] =	stream.indirect.scatter.add.f32 [tilespmem:s15], [sflag:$0x2], $0x80, s18, s14, $0xb8;
	[tilespmem:$0x1CC00] =	vst v63  }
0x32: {  	_ =	swait.ge [sflag:s10], $0x4000  }
0x33: {  	s17 =	sadd.s32 $0x1, s17;
	[sflag:s10] =	ssyncset.done $0x0  }
0x34: {  	p0 =	sne.s32 s17, s9;
	[sflag:s10] =	ssyncadd.s32 $0xFFFFC000  }
.Ltmp1:
0x35: {  	[bflag:$0x0] =	sbarrier.arrive $0xFFFF;
	(pc) =	sbr.rel @p0 .LBB2_1-.Ltmp1, $4  }
0x36: {  	[hbm:s8], [sflag:s12] =	dma.local [spmem:s13], $0x2780  }
0x37: {  	_ =	swait.ge [sflag:s10], $0x2780  }
0x38: {  	[sflag:s10] =	ssyncset.done $0x0  }
0x39: {  	[sflag:s10] =	ssyncadd.s32 $0xFFFFD880  }
0x3a: {  	_ =	sfence.sel $0x180000  }
0x3b: {  	[bflag:$0x0] =	sbarrier.arrive $0xFFFF  }
0x3c: {  	p0 =	sne.s32 s0, $0x0;
	_ =	strace $0x9000004D  }
0x3d: {  	s0 =	sadd.s32 @!p0 $0x100000, s2;
	[bflag:$0x2] =	sbarrier.arrive $0xFFFF  }
0x3e: {  	[sflag:s0] =	ssyncadd.tile.s32 @!p0 $0x1;
	_ =	shalt  }
.Lfunc_end2:
_tile_overlayer_lowered:
.L_overlay_start_2:
0x3f: {  	(tag) =	ssettag $0x2  }
0x40: {  	s0 =	rddreg [dreg:$0x0];
	s2 =	stileid.u32  }
0x41: {  	s1 =	rddreg [dreg:$0x1];
	p0 =	sne.s32 s2, $0x0  }
0x42: {  	s3 =	rddreg [dreg:$0x2];
	[bflag:$0x3] =	sbarrier.arrive $0xFFFF;
	s2 =	simm.s32 @!p0 $0x1C02  }
0x43: {  	[timem:s3], [sflag:s2] =	dma.local @!p0 [hbm:s0], s1  }
0x44: {  	s0 =	simm.s32 @!p0 $0x2  }
0x45: {  	_ =	swait.ge @!p0 [sflag:s0], s1  }
0x46: {  	s1 =	ssub.s32 @!p0 $0x0, s1;
	[sflag:s0] =	ssyncset.done @!p0 $0x0  }
0x47: {  	[sflag:s0] =	ssyncadd.s32 @!p0 s1  }
0x48: {  	[bflag:$0x3] =	sbarrier.arrive $0xFFFF  }
0x49: {  	_ =	shalt  }

// kernel: kernel.8.cloned.1.call-start
scs
__scs_entry_jumppad:
0x0: {  	(pc) =	sbr.rel $0x88, $3  }
0x1: {  	(tag) =	ssettag $0x0;
	lr =	simm.s32 $0x1  }
0x2: {  	[smem:$0x3F9B] =	sst lr;
	_ =	strace $0xD0000000  }
0x3: {  	_ = 	snop  }
0x4: {  	_ = 	snop  }
0x5: {  	_ = 	snop  }
0x6: {  	_ = 	snop  }
0x7: {  	_ = 	snop  }
__scs_overlays_trampoline_lowered:
0x8: {  	[smem:$0x3FAA] =	sst s0  }
0x9: {  	[smem:$0x3FAB] =	sst s1  }
0xa: {  	[smem:$0x3FAC] =	sst s2  }
0xb: {  	[smem:$0x3FAD] =	sst s3  }
0xc: {  	[smem:$0x3FAE] =	sst s4  }
0xd: {  	[smem:$0x3FAF] =	sst s5  }
0xe: {  	[smem:$0x3FB0] =	sst s6  }
0xf: {  	[smem:$0x3FB1] =	sst s7  }
0x10: {  	[smem:$0x3FB2] =	sst s8  }
0x11: {  	[smem:$0x3FB3] =	sst s9;
	s0 =	simm.s32 @!p0 $0x0  }
0x12: {  	s1 =	sld [smem:$0x3F99];
	s0 =	simm.s32 @p0 $0x1  }
0x13: {  	[smem:$0x3FB4] =	sst s0;
	s0 =	simm.s32 @!p1 $0x0  }
0x14: {  	s2 =	sld [smem:$0x3F98];
	s0 =	simm.s32 @p1 $0x1  }
0x15: {  	[smem:$0x3FB5] =	sst s0;
	s0 =	simm.s32 @!p2 $0x0  }
0x16: {  	s3 =	sld [smem:$0x3FDB];
	s0 =	simm.s32 @p2 $0x1  }
0x17: {  	s4 =	simm.s32 $0x1BF5;
	[smem:$0x3FB7] =	sst s0  }
0x18: {  	s0 =	sld [smem:$0x3F9A];
	_ =	swait.ge [sflag:s4], $0x0  }
0x19: {  	s7 =	sld [smem:$0x3F9B]  }
0x1a: {  	s8 =	sadd.s32 $0xFFFFE003, lr  }
0x1b: {  	s9 =	sadd.s32 $0xFFFFFEF7, lr;
	s5 =	simm.s32 $0xFFFFFFFF;
	p2 =	slt.u32 s8, $0xFFFFF086  }
0x1c: {  	p1 =	slt.u32 s9, $0xF7A;
	s5 =	simm.s32 @!p2 $0x0  }
0x1d: {  	s5 =	simm.s32 @p1 $0x1;
	p0 =	seq.s32 s7, s2  }
0x1e: {  	s7 =	smul.u32 @!p0 $0xF7A, s2;
	p2 =	seq.s32 @!p0 s5, $0x0  }
0x1f: {  	s9 =	smul.u32 $0xF7A, s1;
	s8 =	simm.s32 @!p0 $0x1BF5;
	p2 =	por !p2, p0  }
0x20: {  	[sflag:s8] =	ssyncset.s32 @!p0 $0xFFFFF086;
	s6 =	sadd.s32 @!p0 s3, s7;
	s7 =	simm.s32 @!p0 $0x108  }
0x21: {  	s3 =	sadd.s32 s3, s9;
	s6 =	sadd.s32 @!p0 $0x88, s6;
	s7 =	simm.s32 @p2 $0x1082  }
0x22: {  	[simem:s7], [sflag:s8] =	dma.local @!p0 [hbm:s6], $0xF7A  }
0x23: {  	s9 =	sor.u32 $0xD0000000, s2;
	s6 =	simm.s32 $0x108;
	_ =	swait.ge @!p0 [sflag:s8], $0x0  }
0x24: {  	s3 =	sadd.s32 $0x88, s3;
	s6 =	simm.s32 @!p1 $0x1082;
	[sflag:s4] =	ssyncset.s32 $0xFFFFF086  }
0x25: {  	[simem:s6], [sflag:s4] =	dma.local [hbm:s3], $0xF7A  }
0x26: {  	[smem:$0x3F9B] =	sst s1;
	(tag) =	ssettag s2;
	_ =	strace s9  }
0x27: {  	s1 =	sld [smem:$0x3FAB]  }
0x28: {  	s2 =	sld [smem:$0x3FAC]  }
0x29: {  	s4 =	sld [smem:$0x3FAE]  }
0x2a: {  	p0 =	seq.s32 s5, $0x0;
	s5 =	sld [smem:$0x3FAF]  }
0x2b: {  	s6 =	sld [smem:$0x3FB0]  }
0x2c: {  	s7 =	sld [smem:$0x3FB1]  }
0x2d: {  	s3 =	simm.s32 $0x108;
	s8 =	sld [smem:$0x3FB2]  }
0x2e: {  	s3 =	simm.s32 @!p0 $0x1082;
	s9 =	sld [smem:$0x3FB3]  }
0x2f: {  	lr =	sadd.s32 s0, s3;
	s0 =	sld [smem:$0x3FAA]  }
0x30: {  	s3 =	sld [smem:$0x3FAD]  }
0x31: {  	[smem:$0x3FB6] =	sst s10  }
0x32: {  	s10 =	sld [smem:$0x3FB4];
	_ =	sdelay $0x3  }
0x33: {  	p0 =	seq.s32 s10, $0x1;
	s10 =	sld [smem:$0x3FB6];
	_ =	sdelay $0x3  }
0x34: {  	[smem:$0x3FB6] =	sst s10  }
0x35: {  	s10 =	sld [smem:$0x3FB5];
	_ =	sdelay $0x3  }
0x36: {  	p1 =	seq.s32 s10, $0x1;
	s10 =	sld [smem:$0x3FB6];
	_ =	sdelay $0x3  }
0x37: {  	[smem:$0x3FB6] =	sst s10  }
0x38: {  	s10 =	sld [smem:$0x3FB7]  }
0x39: {  	_ = 	snop;
	(pc) =	sbr.ind lr, $3  }
0x3a: {  	_ = 	snop  }
0x3b: {  	_ = 	snop  }
0x3c: {  	p2 =	seq.s32 s10, $0x1;
	s10 =	sld [smem:$0x3FB6]  }
0x3d: {  	_ =	shalt  }
0x3e: {  	_ =	shalt  }
0x3f: {  	_ =	shalt  }
0x40: {  	_ =	shalt  }
0x41: {  	_ =	shalt  }
0x42: {  	_ =	shalt  }
0x43: {  	_ =	shalt  }
0x44: {  	_ =	shalt  }
0x45: {  	_ =	shalt  }
0x46: {  	_ =	shalt  }
0x47: {  	_ =	shalt  }
0x48: {  	_ =	shalt  }
0x49: {  	_ =	shalt  }
0x4a: {  	_ =	shalt  }
0x4b: {  	_ =	shalt  }
0x4c: {  	_ =	shalt  }
0x4d: {  	_ =	shalt  }
0x4e: {  	_ =	shalt  }
0x4f: {  	_ =	shalt  }
0x50: {  	_ =	shalt  }
0x51: {  	_ =	shalt  }
0x52: {  	_ =	shalt  }
0x53: {  	_ =	shalt  }
0x54: {  	_ =	shalt  }
0x55: {  	_ =	shalt  }
0x56: {  	_ =	shalt  }
0x57: {  	_ =	shalt  }
0x58: {  	_ =	shalt  }
0x59: {  	_ =	shalt  }
0x5a: {  	_ =	shalt  }
0x5b: {  	_ =	shalt  }
0x5c: {  	_ =	shalt  }
0x5d: {  	_ =	shalt  }
0x5e: {  	_ =	shalt  }
0x5f: {  	_ =	shalt  }
0x60: {  	_ =	shalt  }
0x61: {  	_ =	shalt  }
0x62: {  	_ =	shalt  }
0x63: {  	_ =	shalt  }
0x64: {  	_ =	shalt  }
0x65: {  	_ =	shalt  }
0x66: {  	_ =	shalt  }
0x67: {  	_ =	shalt  }
0x68: {  	_ =	shalt  }
0x69: {  	_ =	shalt  }
0x6a: {  	_ =	shalt  }
0x6b: {  	_ =	shalt  }
0x6c: {  	_ =	shalt  }
0x6d: {  	_ =	shalt  }
0x6e: {  	_ =	shalt  }
0x6f: {  	_ =	shalt  }
0x70: {  	_ =	shalt  }
0x71: {  	_ =	shalt  }
0x72: {  	_ =	shalt  }
0x73: {  	_ =	shalt  }
0x74: {  	_ =	shalt  }
0x75: {  	_ =	shalt  }
0x76: {  	_ =	shalt  }
0x77: {  	_ =	shalt  }
0x78: {  	_ =	shalt  }
0x79: {  	_ =	shalt  }
0x7a: {  	_ =	shalt  }
0x7b: {  	_ =	shalt  }
0x7c: {  	_ =	shalt  }
0x7d: {  	_ =	shalt  }
0x7e: {  	_ =	shalt  }
0x7f: {  	_ =	shalt  }
0x80: {  	_ =	shalt  }
0x81: {  	_ =	shalt  }
0x82: {  	_ =	shalt  }
0x83: {  	_ =	shalt  }
0x84: {  	_ =	shalt  }
0x85: {  	_ =	shalt  }
0x86: {  	_ =	shalt  }
0x87: {  	_ =	shalt  }
.Lfunc_end0:
.L_simem_size_0:
called_computation_lowered:
.L_overlay_start_0:
0x88: {  	s2 =	sld [smem:$0x3FD9]  }
0x89: {  	s3 =	sld [smem:$0x3FFE];
	_ =	sdelay $0x1  }
0x8a: {  	s1 =	srdreg.scid  }
0x8b: {  	s0 =	sand.u32 $0x1, s1  }
0x8c: {  	s17 =	sshll.u32 s0, $0xA;
	s2 =	sadd.s32 s3, s2  }
0x8d: {  	s2 =	sadd.s32 s2, s17  }
0x8e: {  	[smem:$0x3FC2] =	sst s2  }
0x8f: {  	_ = 	snop  }
0x90: {  	s2 =	sld [smem:$0x3FD0];
	(tm) =	ssettm $0x1  }
0x91: {  	s18 =	sld [smem:$0x3FFB];
	_ =	sdelay $0x3  }
0x92: {  	_ =	strace s18  }
0x93: {  	s3 =	sld [smem:$0x3FFC];
	_ =	sdelay $0x3  }
0x94: {  	_ =	strace s3  }
0x95: {  	s3 =	sld [smem:$0x3FFD];
	_ =	sdelay $0x3  }
0x96: {  	_ =	strace s3  }
0x97: {  	_ =	strace $0x8FFFFFFF  }
0x98: {  	s19 =	sld [smem:$0x3FDB];
	_ =	sdelay $0x1  }
0x99: {  	s4 =	simm.s32 $_scs_section_size  }
0x9a: {  	s5 =	simm.s32 $_size__tile_overlayer_lowered;
	s6 =	simm.s32 $_tile_overlayer_lowered  }
0x9b: {  	s22 =	simm.s32 $0x1BFF;
	s21 =	sshll.u32 s6, $0x1;
	s3 =	sadd.s32 s4, s19  }
0x9c: {  	s7 =	simm.s32 $0x0;
	s20 =	sshll.u32 s5, $0x1;
	s5 =	sadd.s32 s21, s3  }
0x9d: {  	[timem:s7], [sflag:s22] =	dma.local [hbm:s5], s20  }
0x9e: {  	_ =	swait.ge [sflag:s22], s20  }
0x9f: {  	s4 =	ssub.s32 $0x0, s20;
	[sflag:s22] =	ssyncset.done $0x0  }
0xa0: {  	[sflag:s22] =	ssyncadd.s32 s4;
	_ =	sdelay $0x1  }
0xa1: {  	s23 =	simm.s32 $0x1B8B  }
0xa2: {  	_ =	swait.ge [sflag:s23], $0x1  }
0xa3: {  	[sflag:s23] =	ssyncset.done $0x0  }
0xa4: {  	s25 =	simm.s32 $0x1B8E;
	s24 =	sld [smem:$0x3FFE];
	[sflag:s23] =	ssyncadd.s32 $0xFFFFFFFF  }
0xa5: {  	s26 =	simm.s32 $execute0_lowered;
	[smem:$0x3FD2] =	sst s25  }
0xa6: {  	s5 =	sshll.u32 s26, $0x1;
	_ =	strace $0x80000046;
	[dreg:$0x1] =	wrdreg $0xFFFFFFFF  }
0xa7: {  	s28 =	simm.s32 $_size_execute0_lowered;
	s3 =	sadd.s32 s3, s5;
	[dreg:$0x0] =	wrdreg $0x0  }
0xa8: {  	s5 =	sshll.u32 s28, $0x1;
	[dreg:$0x2] =	wrdreg s3  }
0xa9: {  	[dreg:$0x3] =	wrdreg s5  }
0xaa: {  	[dreg:$0x4] =	wrdreg $0xC0  }
0xab: {  	_ =	task [dreg:s7], $0x5FFFF  }
0xac: {  	[dreg:$0x1] =	wrdreg $0xFFFFFFFF  }
0xad: {  	[dreg:$0x0] =	wrdreg $0x60  }
0xae: {  	[dreg:$0x2] =	wrdreg s24  }
0xaf: {  	[dreg:$0x3] =	wrdreg s2  }
0xb0: {  	[dreg:$0x4] =	wrdreg $0x68000  }
0xb1: {  	[dreg:$0x5] =	wrdreg $0x9  }
0xb2: {  	_ =	task.clear_ibuf [dreg:s7], $0x6FFFF;
	_ =	strace $0x90000046  }
0xb3: {  	s29 =	simm.s32 $0x9;
	_ =	strace $0x80000048  }
0xb4: {  	_ =	swait.ge [sflag:s29], $0x1  }
0xb5: {  	[sflag:s29] =	ssyncadd.s32 $0xFFFFFFFF  }
0xb6: {  	_ =	strace $0x90000048  }
0xb7: {  	_ =	sfence  }
0xb8: {  	s30 =	sld [smem:$0x0];
	_ =	sdelay $0x2  }
0xb9: {  	s31 =	sshll.u32 s1, $0xD;
	s1 =	sshrl.u32 s1, $0x2  }
0xba: {  	s3 =	sand.u32 $0x4000, s31;
	s1 =	sadd.s32 s1, s30  }
0xbb: {  	s0 =	sor.u32 s3, s0;
	s1 =	sshll.u32 s1, $0x11  }
0xbc: {  	s0 =	sor.u32 s1, s0  }
0xbd: {  	s0 =	sadd.s32 $0x8F2B, s0  }
0xbe: {  	[sflag:s0] =	ssyncadd.remote.s32 $0x1  }
0xbf: {  	_ =	sfence.sel $0xFFFF  }
0xc0: {  	[dreg:$0x0] =	wrdreg $0xFFFFFFFF;
	(pc) =	sbr.abs _section_cstart, $3  }
0xc1: {  	[dreg:$0x1] =	wrdreg $0xFFFFFFFF  }
0xc2: {  	_ =	task.clear_ibuf [dreg:s7], $0x2FFFF;
	_ =	strace $0x9FFFFFFF  }
0xc3: {  	(tm) =	ssettm $0x7FFFFFFF  }
tec
execute0_lowered:
.L_overlay_start_1:
0x0: {  	(tag) =	ssettag $0x1  }
0x1: {  	s5 =	rddreg [dreg:$0x0]  }
0x2: {  	s0 =	srdreg.scid;
	s2 =	rddreg [dreg:$0x1]  }
0x3: {  	s3 =	rddreg [dreg:$0x2];
	s6 =	sand.u32 $0x1, s0;
	s0 =	stileid.u32  }
0x4: {  	s4 =	simm.s32 $0x0;
	s13 =	simm.s32 $0x80;
	s8 =	smul.u32 $0x2780, s0  }
0x5: {  	s14 =	simm.s32 $0x0;
	[smem:$0x7FF] =	sst s4;
	s9 =	smul.u32 $0x27800, s6  }
0x6: {  	s1 =	sshll.u32 s6, $0x4;
	s6 =	ssub.s32 $0x2, s6;
	s10 =	smul.u32 $0x4F000, s0  }
0x7: {  	s31 =	sshll.u32 s0, $0x6;
	s7 =	sor.u32 s0, s1;
	s1 =	rddreg [dreg:$0x3]  }
0x8: {  	_ =	strace $0x80000047;
	s29 =	sshrl.u32 s6, $0x1;
	s7 =	smul.u32 $0x500, s7  }
0x9: {  	s11 =	sadd.s32 s8, s5;
	s8 =	sadd.s32 s8, s9;
	s9 =	ssub.s32 s6, s29  }
0xa: {  	s30 =	sshrl.u32 s10, $0x2;
	s10 =	simm.s32 $0x2800;
	s8 =	sadd.s32 s8, s5  }
0xb: {  	s12 =	sadd.s32 s30, s3;
	s6 =	sadd.s32 $0xD400, s11;
	s7 =	sadd.s32 s7, s5  }
0xc: {  	s11 =	sor.u32 $0x1C01, s31;
	s12 =	sshrl.u32 s12, $0x3;
	s5 =	sadd.s32 $0x3400, s7  }
0xd: {  	s7 =	sadd.s32 $0x34C00, s8;
	s8 =	smax.u32 s9, $0x1;
	s9 =	simm.s32 $0x1  }
.LBB2_1:
0xe: {  	[tilespmem:s4], [sflag:$0x1] =	stream.linear.gather [hbm4b:s5+s4], $0x2780, $0x38;
	[tilespmem:$0x1A400] =	vst v63  }
0xf: {  	_ =	swait.ge [sflag:s9], $0x2780  }
0x10: {  	[sflag:s9] =	ssyncset.done $0x0  }
0x11: {  	[sflag:s9] =	ssyncadd.s32 $0xFFFFD880  }
0x12: {  	[tilespmem:s10], [sflag:$0x1] =	stream.linear.gather [hbm4b:s2+s4], $0x4000, $0x38;
	[tilespmem:$0x1A400] =	vst v63  }
0x13: {  	_ =	swait.ge [sflag:s9], $0x4000  }
0x14: {  	[sflag:s9] =	ssyncset.done $0x0  }
0x15: {  	[sflag:s9] =	ssyncadd.s32 $0xFFFFC000  }
0x16: {  	[spmem:s12], [sflag:s11] =	dma.local [hbm:s6], $0x2780  }
0x17: {  	_ =	swait.ge [sflag:s9], $0x2780  }
0x18: {  	[sflag:s9] =	ssyncset.done $0x0  }
0x19: {  	[sflag:s9] =	ssyncadd.s32 $0xFFFFD880  }
0x1a: {  	s15 =	simm.s32 $0x0;
	[bflag:$0x0] =	sbarrier.arrive $0xFFFF  }
0x1b: {  	[spmem:s3] =	stream.indirect.scatter.add.f32 [tilespmem:s10], [sflag:$0x1], $0x80, s15, s13, $0xb8;
	[tilespmem:$0x1A400] =	vst v63  }
0x1c: {  	_ =	swait.ge [sflag:s9], $0x4000  }
0x1d: {  	s15 =	simm.s32 $0x200;
	[sflag:s9] =	ssyncset.done $0x0  }
.LBB2_2:
0x1e: {  	s16 =	sshra.s32 s15, $0x2;
	[sflag:s9] =	ssyncadd.s32 $0xFFFFC000;
	p0 =	sne.s32 s15, $0x9C00  }
0x1f: {  	[spmem:s3] =	stream.indirect.scatter.add.f32 [tilespmem:s10], [sflag:$0x1], $0x80, s16, s13, $0xb8;
	[tilespmem:$0x1A400] =	vst v63  }
.Ltmp0:
0x20: {  	_ = 	snop;
	(pc) =	sbr.rel @p0 .LBB2_2-.Ltmp0, $4  }
0x21: {  	_ = 	snop  }
0x22: {  	s15 =	sadd.s32 $0x200, s15  }
0x23: {  	_ =	swait.ge [sflag:s9], $0x4000  }
0x24: {  	[sflag:s9] =	ssyncset.done $0x0  }
0x25: {  	s14 =	sadd.s32 $0x1, s14  }
0x26: {  	[sflag:s9] =	ssyncadd.s32 $0xFFFFC000;
	p0 =	sne.s32 s14, s8  }
.Ltmp1:
0x27: {  	[bflag:$0x0] =	sbarrier.arrive $0xFFFF;
	(pc) =	sbr.rel @p0 .LBB2_1-.Ltmp1, $4  }
0x28: {  	[hbm:s7], [sflag:s11] =	dma.local [spmem:s12], $0x2780  }
0x29: {  	_ =	swait.ge [sflag:s9], $0x2780  }
0x2a: {  	[sflag:s9] =	ssyncset.done $0x0  }
0x2b: {  	[sflag:s9] =	ssyncadd.s32 $0xFFFFD880  }
0x2c: {  	_ =	sfence.sel $0x180000  }
0x2d: {  	[bflag:$0x0] =	sbarrier.arrive $0xFFFF  }
0x2e: {  	p0 =	sne.s32 s0, $0x0;
	_ =	strace $0x90000047  }
0x2f: {  	s0 =	sadd.s32 @!p0 $0x100000, s1;
	[bflag:$0x2] =	sbarrier.arrive $0xFFFF  }
0x30: {  	[sflag:s0] =	ssyncadd.tile.s32 @!p0 $0x1;
	_ =	shalt  }
.Lfunc_end2:
_tile_overlayer_lowered:
.L_overlay_start_2:
0x31: {  	(tag) =	ssettag $0x2  }
0x32: {  	s0 =	rddreg [dreg:$0x0];
	s2 =	stileid.u32  }
0x33: {  	s1 =	rddreg [dreg:$0x1];
	p0 =	sne.s32 s2, $0x0  }
0x34: {  	s3 =	rddreg [dreg:$0x2];
	[bflag:$0x3] =	sbarrier.arrive $0xFFFF;
	s2 =	simm.s32 @!p0 $0x1C01  }
0x35: {  	[timem:s3], [sflag:s2] =	dma.local @!p0 [hbm:s0], s1  }
0x36: {  	s0 =	simm.s32 @!p0 $0x1  }
0x37: {  	_ =	swait.ge @!p0 [sflag:s0], s1  }
0x38: {  	s1 =	ssub.s32 @!p0 $0x0, s1;
	[sflag:s0] =	ssyncset.done @!p0 $0x0  }
0x39: {  	[sflag:s0] =	ssyncadd.s32 @!p0 s1  }
0x3a: {  	[bflag:$0x3] =	sbarrier.arrive $0xFFFF  }
0x3b: {  	_ =	shalt  }

</sc_bundles>
